<compile_context>
chip_gen: v7x
topology: tpu7x:2x2x1
jax: 0.10.2.dev20260603
libtpu: 0.0.44.dev20260713+nightly
codegen_flags: <defaults>
</compile_context>

<pallas_src>
import functools

import jax
import jax.numpy as jnp
from jax import lax
from jax.experimental import pallas as pl
from jax.experimental.pallas import tpu as pltpu
from jax.experimental.pallas import tpu_sc as plsc

N_NODES = 10000
N_PAD = 10016
NC, NS = 2, 16
NW = NC * NS
E_EDGES = 320000
EDGES_PER_TILE = E_EDGES // NW
ROWS_PER_TILE = N_PAD // NS
LAST_ROWS = N_NODES - (NS - 1) * ROWS_PER_TILE


def _lrelu(v):
    return jnp.where(v >= 0, v, v * 0.01)


@functools.lru_cache(maxsize=None)
def _make_sc_scatter(d, chunk, ring, depth):
    n_chunks = EDGES_PER_TILE // chunk
    assert n_chunks * chunk == EDGES_PER_TILE and depth < ring
    rounds = n_chunks // ring
    tail = n_chunks - rounds * ring
    assert rounds >= 2
    mesh = plsc.VectorSubcoreMesh(
        core_axis_name="c", subcore_axis_name="s", num_cores=NC, num_subcores=NS
    )

    @functools.partial(
        pl.kernel,
        out_type=jax.ShapeDtypeStruct((NC * N_NODES, d), jnp.float32),
        mesh=mesh,
        scratch_types=(
            [pltpu.VMEM_SHARED((N_PAD, d), jnp.float32)]
            + [pltpu.VMEM((n_chunks, chunk), jnp.int32)] * 2
            + [pltpu.VMEM((chunk, d), jnp.float32)] * ring
            + [pltpu.SemaphoreType.DMA] * (2 * ring)
        ),
        compiler_params=pltpu.CompilerParams(use_tc_tiling_on_sc=False),
    )
    def sc_scatter(x_hbm, src_hbm, dst_hbm, zeros_hbm, out_hbm,
                   acc, src_v, dst_v, *bufs):
        rows = bufs[:ring]
        gsem = bufs[ring:2 * ring]
        ssem = bufs[2 * ring:]
        c = lax.axis_index("c")
        s = lax.axis_index("s")
        wid = s * NC + c
        row0 = s * ROWS_PER_TILE
        pltpu.sync_copy(zeros_hbm, rows[0])
        for g in range(ROWS_PER_TILE // chunk):
            pltpu.sync_copy(rows[0], acc.at[pl.ds(row0 + g * chunk, chunk)])
        zrem = ROWS_PER_TILE % chunk
        if zrem:
            pltpu.sync_copy(
                rows[0].at[pl.ds(0, zrem)],
                acc.at[pl.ds(row0 + (ROWS_PER_TILE // chunk) * chunk, zrem)])
        pltpu.sync_copy(src_hbm.at[wid], src_v)
        pltpu.sync_copy(dst_hbm.at[wid], dst_v)
        plsc.subcore_barrier()

        def gather(j, b):
            pltpu.async_copy(x_hbm.at[src_v.at[j]], rows[b], gsem[b])

        def scatter(j, b):
            pltpu.async_copy(rows[b], acc.at[dst_v.at[j]], ssem[b],
                             add=True)

        def gwait(b):
            pltpu.make_async_copy(x_hbm.at[src_v.at[0]], rows[b],
                                  gsem[b]).wait()

        def swait(b):
            pltpu.make_async_copy(rows[b], acc.at[dst_v.at[0]],
                                  ssem[b]).wait()

        def round_body(i, carry):
            for k in range(ring):
                j = i * ring + k
                b2 = (k - depth) % ring
                @pl.when(i > 0)
                def _():
                    swait(k)
                gather(j, k)
                if k >= depth:
                    gwait(b2)
                    scatter(j - depth, b2)
                else:
                    @pl.when(i > 0)
                    def _():
                        gwait(b2)
                        scatter(j - depth, b2)
            return carry

        lax.fori_loop(0, rounds, round_body, 0)
        for t in range(tail):
            j = rounds * ring + t
            swait(t)
            gather(j, t)
            b2 = (t - depth) % ring
            gwait(b2)
            scatter(j - depth, b2)
        for k in range(depth):
            j = n_chunks - depth + k
            b = j % ring
            gwait(b)
            scatter(j, b)
        for k in range(ring):
            swait(k)
        plsc.subcore_barrier()
        @pl.when(s < NS - 1)
        def _():
            pltpu.sync_copy(acc.at[pl.ds(row0, ROWS_PER_TILE)],
                            out_hbm.at[pl.ds(c * N_NODES + row0,
                                             ROWS_PER_TILE)])

        @pl.when(s == NS - 1)
        def _():
            pltpu.sync_copy(acc.at[pl.ds(row0, LAST_ROWS)],
                            out_hbm.at[pl.ds(c * N_NODES + row0,
                                             LAST_ROWS)])

    return sc_scatter


_RB = 1000
_GRID = (N_NODES // _RB,)


def _dotT(a, w):
    return lax.dot_general(a, w, (((1,), (1,)), ((), ())),
                           preferred_element_type=jnp.float32)


def _tc_pre_body(x_ref, lin1_w_ref, lin1_b_ref, id_ref, xn_ref, xh_ref):
    xb = x_ref[...]
    nrm = jnp.sqrt(jnp.sum(xb * xb, axis=1, keepdims=True))
    xn = xb / jnp.maximum(nrm, 1e-12)
    xn_ref[...] = xn
    y = _dotT(xn, lin1_w_ref[...]) + lin1_b_ref[...]
    xh_ref[...] = _lrelu(y) + id_ref[...]


def _tc_mid_body(s0_ref, s1_ref, conv_w1_ref, g1_w_ref, g1_b_ref, xh1_ref,
                 lin2_w_ref, lin2_b_ref, id_ref, x2_ref, xh2_ref):
    sacc = s0_ref[...] + s1_ref[...]
    h = _lrelu(jnp.dot(sacc, conv_w1_ref[...],
                       preferred_element_type=jnp.float32))
    x2 = _lrelu(_dotT(h, g1_w_ref[...]) + g1_b_ref[...] + xh1_ref[...])
    x2_ref[...] = x2
    y = _dotT(x2, lin2_w_ref[...]) + lin2_b_ref[...]
    xh2_ref[...] = _lrelu(y) + id_ref[...]


def _tc_post_body(t0_ref, t1_ref, conv_w2_ref, g2_w_ref, g2_b_ref, xh2_ref,
                  out_ref):
    tacc = t0_ref[...] + t1_ref[...]
    h = _lrelu(jnp.dot(tacc, conv_w2_ref[...],
                       preferred_element_type=jnp.float32))
    out_ref[...] = _lrelu(_dotT(h, g2_w_ref[...]) + g2_b_ref[...]
                          + xh2_ref[...])


def _row_spec(cols):
    return pl.BlockSpec((_RB, cols), lambda i: (i, 0))


def _part1_spec(cols):
    return pl.BlockSpec((_RB, cols), lambda i: (i + N_NODES // _RB, 0))


def _full_spec(r, cols):
    return pl.BlockSpec((r, cols), lambda i: (0, 0))


_tc_pre = pl.pallas_call(
    _tc_pre_body,
    grid=_GRID,
    in_specs=[_row_spec(128), _full_spec(64, 128), _full_spec(1, 64),
              _row_spec(64)],
    out_specs=[_row_spec(128), _row_spec(64)],
    out_shape=[jax.ShapeDtypeStruct((N_NODES, 128), jnp.float32),
               jax.ShapeDtypeStruct((N_NODES, 64), jnp.float32)],
)

_tc_mid = pl.pallas_call(
    _tc_mid_body,
    grid=_GRID,
    in_specs=[_row_spec(128), _part1_spec(128), _full_spec(128, 128),
              _full_spec(64, 128), _full_spec(1, 64), _row_spec(64),
              _full_spec(64, 64), _full_spec(1, 64), _row_spec(64)],
    out_specs=[_row_spec(64), _row_spec(64)],
    out_shape=[jax.ShapeDtypeStruct((N_NODES, 64), jnp.float32),
               jax.ShapeDtypeStruct((N_NODES, 64), jnp.float32)],
)

_tc_post = pl.pallas_call(
    _tc_post_body,
    grid=_GRID,
    in_specs=[_row_spec(64), _part1_spec(64), _full_spec(64, 64),
              _full_spec(64, 64), _full_spec(1, 64), _row_spec(64)],
    out_specs=_row_spec(64),
    out_shape=jax.ShapeDtypeStruct((N_NODES, 64), jnp.float32),
)


def kernel(features, id_embedding, preference, conv_w1, lin1_w, lin1_b,
           g1_w, g1_b, conv_w2, lin2_w, lin2_b, g2_w, g2_b, edge_index):
    src = edge_index[0].reshape(NW, EDGES_PER_TILE // 80, 80)
    dst = edge_index[1].reshape(NW, EDGES_PER_TILE // 80, 80)

    zeros128 = jnp.zeros((80, 128), jnp.float32)
    zeros64 = jnp.zeros((80, 64), jnp.float32)

    xcat = jnp.concatenate([preference, features], axis=0)
    xn, xh1 = _tc_pre(xcat, lin1_w, lin1_b.reshape(1, 64), id_embedding)

    s_parts = _make_sc_scatter(128, 80, 3, 2)(xn, src, dst, zeros128)

    x2, xh2 = _tc_mid(s_parts, s_parts, conv_w1, g1_w, g1_b.reshape(1, 64),
                      xh1, lin2_w, lin2_b.reshape(1, 64), id_embedding)

    t_parts = _make_sc_scatter(64, 80, 5, 2)(x2, src, dst, zeros64)

    return _tc_post(t_parts, t_parts, conv_w2, g2_w, g2_b.reshape(1, 64),
                    xh2)

# --- scband reference (transcript-rebuilt; emitter-appended) ---
"""Pipeline reference for scband-gcn-71038759076272 (READ-ONLY COPY).

The authoritative reference and input builder live on the scoring server;
editing this copy changes nothing except your own understanding.
"""

import jax, jax.numpy as jnp
import numpy as np

NUM_USER = 2000
NUM_ITEM = 8000
N = NUM_USER + NUM_ITEM
DIM_FEAT = 128
DIM_ID = 64
E = 320000


def _xavier(key, shape):
    fan_in, fan_out = shape[1], shape[0]
    std = np.sqrt(2.0 / (fan_in + fan_out))
    return jax.random.normal(key, shape, dtype=jnp.float32) * std


def setup_inputs(seed: int = 0) -> dict:
    key = jax.random.key(seed)
    ks = jax.random.split(key, 16)
    features = jax.random.normal(ks[0], (NUM_ITEM, DIM_FEAT), dtype=jnp.float32)
    id_embedding = jax.random.normal(ks[1], (N, DIM_ID), dtype=jnp.float32) * 0.1
    edge_index = jax.random.randint(ks[2], (2, E), 0, N, dtype=jnp.int32)
    preference = _xavier(ks[3], (NUM_USER, DIM_FEAT))
    conv_w1 = _xavier(ks[4], (DIM_FEAT, DIM_FEAT))
    lin1_w = _xavier(ks[5], (DIM_ID, DIM_FEAT))
    lin1_b = jnp.zeros((DIM_ID,), dtype=jnp.float32)
    g1_w = _xavier(ks[6], (DIM_ID, DIM_FEAT))
    g1_b = jnp.zeros((DIM_ID,), dtype=jnp.float32)
    conv_w2 = _xavier(ks[7], (DIM_ID, DIM_ID))
    lin2_w = _xavier(ks[8], (DIM_ID, DIM_ID))
    lin2_b = jnp.zeros((DIM_ID,), dtype=jnp.float32)
    g2_w = _xavier(ks[9], (DIM_ID, DIM_ID))
    g2_b = jnp.zeros((DIM_ID,), dtype=jnp.float32)
    return {
        "features": features,
        "id_embedding": id_embedding,
        "preference": preference,
        "conv_w1": conv_w1,
        "lin1_w": lin1_w,
        "lin1_b": lin1_b,
        "g1_w": g1_w,
        "g1_b": g1_b,
        "conv_w2": conv_w2,
        "lin2_w": lin2_w,
        "lin2_b": lin2_b,
        "g2_w": g2_w,
        "g2_b": g2_b,
        "edge_index": edge_index,
    }


def reference(features, id_embedding, preference, conv_w1, lin1_w, lin1_b,
              g1_w, g1_b, conv_w2, lin2_w, lin2_b, g2_w, g2_b, edge_index):
    src = edge_index[0]
    dst = edge_index[1]
    lr = lambda v: jax.nn.leaky_relu(v, 0.01)

    def conv(x, w):
        xp = x @ w                       # node-wise linear (BaseModel weight)
        msg = jnp.take(xp, src, axis=0)  # gather from source nodes
        return jax.ops.segment_sum(msg, dst, num_segments=x.shape[0])  # aggr='add' at dst

    # x = normalize(cat(preference, features))
    x = jnp.concatenate([preference, features], axis=0)
    norm = jnp.sqrt(jnp.sum(x * x, axis=1, keepdims=True))
    x = x / jnp.maximum(norm, 1e-12)

    # layer 1 (dim_feat -> dim_id, concate=False, has_id=True)
    h = lr(conv(x, conv_w1))
    x_hat = lr(x @ lin1_w.T + lin1_b) + id_embedding
    x = lr(h @ g1_w.T + g1_b + x_hat)

    # layer 2 (dim_id -> dim_id)
    h = lr(conv(x, conv_w2))
    x_hat = lr(x @ lin2_w.T + lin2_b) + id_embedding
    x = lr(h @ g2_w.T + g2_b + x_hat)

    return x

if __name__ == "__main__":
    import jax
    _d = setup_inputs()
    print(jax.jit(kernel)(*tuple(_d.values())))

</pallas_src>

<mosaic_0001>
#map = affine_map<(d0, d1) -> (0, 0)>
#map1 = affine_map<(d0, d1) -> (0, 0, 0)>
module attributes {stable_mosaic.version = 14 : i64} {
  func.func @sc_scatter(%arg0: i32, %arg1: i32, %arg2: memref<10000x128xf32, #tpu.memory_space<hbm>>, %arg3: memref<32x125x80xi32, #tpu.memory_space<hbm>>, %arg4: memref<32x125x80xi32, #tpu.memory_space<hbm>>, %arg5: memref<80x128xf32, #tpu.memory_space<hbm>>, %arg6: memref<20000x128xf32, #tpu.memory_space<hbm>>, %arg7: memref<10016x128xf32, #tpu.memory_space<vmem_shared>>, %arg8: memref<125x80xi32, #tpu.memory_space<vmem>>, %arg9: memref<125x80xi32, #tpu.memory_space<vmem>>, %arg10: memref<80x128xf32, #tpu.memory_space<vmem>>, %arg11: memref<80x128xf32, #tpu.memory_space<vmem>>, %arg12: memref<80x128xf32, #tpu.memory_space<vmem>>, %arg13: memref<!tpu.dma_semaphore, #tpu.memory_space<semaphore_mem>>, %arg14: memref<!tpu.dma_semaphore, #tpu.memory_space<semaphore_mem>>, %arg15: memref<!tpu.dma_semaphore, #tpu.memory_space<semaphore_mem>>, %arg16: memref<!tpu.dma_semaphore, #tpu.memory_space<semaphore_mem>>, %arg17: memref<!tpu.dma_semaphore, #tpu.memory_space<semaphore_mem>>, %arg18: memref<!tpu.dma_semaphore, #tpu.memory_space<semaphore_mem>>) attributes {dimension_semantics = [#tpu.dimension_semantics<core_parallel>, #tpu.dimension_semantics<subcore_parallel>], iteration_bounds = array<i64: 2, 16>, scalar_prefetch = 0 : i64, scratch_operands = 12 : i64, tpu.core_type = #tpu.core_type<sc_vector_subcore>, window_params = [{transform_indices = #map}, {transform_indices = #map1}, {transform_indices = #map1}, {transform_indices = #map}, {transform_indices = #map}]} {
    %mul3A = arith.constant 2 : i32
    %mul3A_0 = arith.muli %arg1, %mul3A : i32
    %add3A = arith.addi %mul3A_0, %arg0 : i32
    %mul3A_1 = arith.constant 626 : i32
    %mul3A_2 = arith.muli %arg1, %mul3A_1 : i32
    "tpu.region"() ({
      %run_scoped3A = tpu.sem_alloc : memref<!tpu.dma_semaphore, #tpu.memory_space<semaphore_mem>>
      tpu.enqueue_dma source(%arg5 : memref<80x128xf32, #tpu.memory_space<hbm>>) target(%arg10 : memref<80x128xf32, #tpu.memory_space<vmem>>) target_semaphore(%run_scoped3A : memref<!tpu.dma_semaphore, #tpu.memory_space<semaphore_mem>>)
      tpu.wait_dma2 semaphore(%run_scoped3A : memref<!tpu.dma_semaphore, #tpu.memory_space<semaphore_mem>>) src(%arg5 : memref<80x128xf32, #tpu.memory_space<hbm>>) dst(%arg10 : memref<80x128xf32, #tpu.memory_space<vmem>>)
      tpu.yield
    }) : () -> ()
    %add3A_3 = arith.constant 0 : i32
    %add3A_4 = arith.addi %mul3A_2, %add3A_3 : i32
    "tpu.region"() ({
      %run_scoped3A = tpu.sem_alloc : memref<!tpu.dma_semaphore, #tpu.memory_space<semaphore_mem>>
      %dma_start3A_134 = arith.constant 0 : i32
      %dma_start3A_135 = tpu.memref_slice %arg7[%add3A_4, %dma_start3A_134] : memref<10016x128xf32, #tpu.memory_space<vmem_shared>> -> memref<80x128xf32, #tpu.memory_space<vmem_shared>>
      %dma_start3A_136 = arith.constant 0 : i32
      %dma_start3A_137 = tpu.memref_slice %arg7[%add3A_4, %dma_start3A_136] : memref<10016x128xf32, #tpu.memory_space<vmem_shared>> -> memref<80x128xf32, #tpu.memory_space<vmem_shared>>
      tpu.enqueue_dma source(%arg10 : memref<80x128xf32, #tpu.memory_space<vmem>>) target(%dma_start3A_137 : memref<80x128xf32, #tpu.memory_space<vmem_shared>>) target_semaphore(%run_scoped3A : memref<!tpu.dma_semaphore, #tpu.memory_space<semaphore_mem>>)
      %dma_wait3A_138 = arith.constant 0 : i32
      %dma_wait3A_139 = tpu.memref_slice %arg7[%add3A_4, %dma_wait3A_138] : memref<10016x128xf32, #tpu.memory_space<vmem_shared>> -> memref<80x128xf32, #tpu.memory_space<vmem_shared>>
      %dma_wait3A_140 = arith.constant 0 : i32
      %dma_wait3A_141 = tpu.memref_slice %arg7[%add3A_4, %dma_wait3A_140] : memref<10016x128xf32, #tpu.memory_space<vmem_shared>> -> memref<80x128xf32, #tpu.memory_space<vmem_shared>>
      tpu.wait_dma2 semaphore(%run_scoped3A : memref<!tpu.dma_semaphore, #tpu.memory_space<semaphore_mem>>) src(%arg10 : memref<80x128xf32, #tpu.memory_space<vmem>>) dst(%dma_wait3A_141 : memref<80x128xf32, #tpu.memory_space<vmem_shared>>)
      tpu.yield
    }) : () -> ()
    %add3A_5 = arith.constant 80 : i32
    %add3A_6 = arith.addi %mul3A_2, %add3A_5 : i32
    "tpu.region"() ({
      %run_scoped3A = tpu.sem_alloc : memref<!tpu.dma_semaphore, #tpu.memory_space<semaphore_mem>>
      %dma_start3A_134 = arith.constant 0 : i32
      %dma_start3A_135 = tpu.memref_slice %arg7[%add3A_6, %dma_start3A_134] : memref<10016x128xf32, #tpu.memory_space<vmem_shared>> -> memref<80x128xf32, #tpu.memory_space<vmem_shared>>
      %dma_start3A_136 = arith.constant 0 : i32
      %dma_start3A_137 = tpu.memref_slice %arg7[%add3A_6, %dma_start3A_136] : memref<10016x128xf32, #tpu.memory_space<vmem_shared>> -> memref<80x128xf32, #tpu.memory_space<vmem_shared>>
      tpu.enqueue_dma source(%arg10 : memref<80x128xf32, #tpu.memory_space<vmem>>) target(%dma_start3A_137 : memref<80x128xf32, #tpu.memory_space<vmem_shared>>) target_semaphore(%run_scoped3A : memref<!tpu.dma_semaphore, #tpu.memory_space<semaphore_mem>>)
      %dma_wait3A_138 = arith.constant 0 : i32
      %dma_wait3A_139 = tpu.memref_slice %arg7[%add3A_6, %dma_wait3A_138] : memref<10016x128xf32, #tpu.memory_space<vmem_shared>> -> memref<80x128xf32, #tpu.memory_space<vmem_shared>>
      %dma_wait3A_140 = arith.constant 0 : i32
      %dma_wait3A_141 = tpu.memref_slice %arg7[%add3A_6, %dma_wait3A_140] : memref<10016x128xf32, #tpu.memory_space<vmem_shared>> -> memref<80x128xf32, #tpu.memory_space<vmem_shared>>
      tpu.wait_dma2 semaphore(%run_scoped3A : memref<!tpu.dma_semaphore, #tpu.memory_space<semaphore_mem>>) src(%arg10 : memref<80x128xf32, #tpu.memory_space<vmem>>) dst(%dma_wait3A_141 : memref<80x128xf32, #tpu.memory_space<vmem_shared>>)
      tpu.yield
    }) : () -> ()
    %add3A_7 = arith.constant 160 : i32
    %add3A_8 = arith.addi %mul3A_2, %add3A_7 : i32
    "tpu.region"() ({
      %run_scoped3A = tpu.sem_alloc : memref<!tpu.dma_semaphore, #tpu.memory_space<semaphore_mem>>
      %dma_start3A_134 = arith.constant 0 : i32
      %dma_start3A_135 = tpu.memref_slice %arg7[%add3A_8, %dma_start3A_134] : memref<10016x128xf32, #tpu.memory_space<vmem_shared>> -> memref<80x128xf32, #tpu.memory_space<vmem_shared>>
      %dma_start3A_136 = arith.constant 0 : i32
      %dma_start3A_137 = tpu.memref_slice %arg7[%add3A_8, %dma_start3A_136] : memref<10016x128xf32, #tpu.memory_space<vmem_shared>> -> memref<80x128xf32, #tpu.memory_space<vmem_shared>>
      tpu.enqueue_dma source(%arg10 : memref<80x128xf32, #tpu.memory_space<vmem>>) target(%dma_start3A_137 : memref<80x128xf32, #tpu.memory_space<vmem_shared>>) target_semaphore(%run_scoped3A : memref<!tpu.dma_semaphore, #tpu.memory_space<semaphore_mem>>)
      %dma_wait3A_138 = arith.constant 0 : i32
      %dma_wait3A_139 = tpu.memref_slice %arg7[%add3A_8, %dma_wait3A_138] : memref<10016x128xf32, #tpu.memory_space<vmem_shared>> -> memref<80x128xf32, #tpu.memory_space<vmem_shared>>
      %dma_wait3A_140 = arith.constant 0 : i32
      %dma_wait3A_141 = tpu.memref_slice %arg7[%add3A_8, %dma_wait3A_140] : memref<10016x128xf32, #tpu.memory_space<vmem_shared>> -> memref<80x128xf32, #tpu.memory_space<vmem_shared>>
      tpu.wait_dma2 semaphore(%run_scoped3A : memref<!tpu.dma_semaphore, #tpu.memory_space<semaphore_mem>>) src(%arg10 : memref<80x128xf32, #tpu.memory_space<vmem>>) dst(%dma_wait3A_141 : memref<80x128xf32, #tpu.memory_space<vmem_shared>>)
      tpu.yield
    }) : () -> ()
    %add3A_9 = arith.constant 240 : i32
    %add3A_10 = arith.addi %mul3A_2, %add3A_9 : i32
    "tpu.region"() ({
      %run_scoped3A = tpu.sem_alloc : memref<!tpu.dma_semaphore, #tpu.memory_space<semaphore_mem>>
      %dma_start3A_134 = arith.constant 0 : i32
      %dma_start3A_135 = tpu.memref_slice %arg7[%add3A_10, %dma_start3A_134] : memref<10016x128xf32, #tpu.memory_space<vmem_shared>> -> memref<80x128xf32, #tpu.memory_space<vmem_shared>>
      %dma_start3A_136 = arith.constant 0 : i32
      %dma_start3A_137 = tpu.memref_slice %arg7[%add3A_10, %dma_start3A_136] : memref<10016x128xf32, #tpu.memory_space<vmem_shared>> -> memref<80x128xf32, #tpu.memory_space<vmem_shared>>
      tpu.enqueue_dma source(%arg10 : memref<80x128xf32, #tpu.memory_space<vmem>>) target(%dma_start3A_137 : memref<80x128xf32, #tpu.memory_space<vmem_shared>>) target_semaphore(%run_scoped3A : memref<!tpu.dma_semaphore, #tpu.memory_space<semaphore_mem>>)
      %dma_wait3A_138 = arith.constant 0 : i32
      %dma_wait3A_139 = tpu.memref_slice %arg7[%add3A_10, %dma_wait3A_138] : memref<10016x128xf32, #tpu.memory_space<vmem_shared>> -> memref<80x128xf32, #tpu.memory_space<vmem_shared>>
      %dma_wait3A_140 = arith.constant 0 : i32
      %dma_wait3A_141 = tpu.memref_slice %arg7[%add3A_10, %dma_wait3A_140] : memref<10016x128xf32, #tpu.memory_space<vmem_shared>> -> memref<80x128xf32, #tpu.memory_space<vmem_shared>>
      tpu.wait_dma2 semaphore(%run_scoped3A : memref<!tpu.dma_semaphore, #tpu.memory_space<semaphore_mem>>) src(%arg10 : memref<80x128xf32, #tpu.memory_space<vmem>>) dst(%dma_wait3A_141 : memref<80x128xf32, #tpu.memory_space<vmem_shared>>)
      tpu.yield
    }) : () -> ()
    %add3A_11 = arith.constant 320 : i32
    %add3A_12 = arith.addi %mul3A_2, %add3A_11 : i32
    "tpu.region"() ({
      %run_scoped3A = tpu.sem_alloc : memref<!tpu.dma_semaphore, #tpu.memory_space<semaphore_mem>>
      %dma_start3A_134 = arith.constant 0 : i32
      %dma_start3A_135 = tpu.memref_slice %arg7[%add3A_12, %dma_start3A_134] : memref<10016x128xf32, #tpu.memory_space<vmem_shared>> -> memref<80x128xf32, #tpu.memory_space<vmem_shared>>
      %dma_start3A_136 = arith.constant 0 : i32
      %dma_start3A_137 = tpu.memref_slice %arg7[%add3A_12, %dma_start3A_136] : memref<10016x128xf32, #tpu.memory_space<vmem_shared>> -> memref<80x128xf32, #tpu.memory_space<vmem_shared>>
      tpu.enqueue_dma source(%arg10 : memref<80x128xf32, #tpu.memory_space<vmem>>) target(%dma_start3A_137 : memref<80x128xf32, #tpu.memory_space<vmem_shared>>) target_semaphore(%run_scoped3A : memref<!tpu.dma_semaphore, #tpu.memory_space<semaphore_mem>>)
      %dma_wait3A_138 = arith.constant 0 : i32
      %dma_wait3A_139 = tpu.memref_slice %arg7[%add3A_12, %dma_wait3A_138] : memref<10016x128xf32, #tpu.memory_space<vmem_shared>> -> memref<80x128xf32, #tpu.memory_space<vmem_shared>>
      %dma_wait3A_140 = arith.constant 0 : i32
      %dma_wait3A_141 = tpu.memref_slice %arg7[%add3A_12, %dma_wait3A_140] : memref<10016x128xf32, #tpu.memory_space<vmem_shared>> -> memref<80x128xf32, #tpu.memory_space<vmem_shared>>
      tpu.wait_dma2 semaphore(%run_scoped3A : memref<!tpu.dma_semaphore, #tpu.memory_space<semaphore_mem>>) src(%arg10 : memref<80x128xf32, #tpu.memory_space<vmem>>) dst(%dma_wait3A_141 : memref<80x128xf32, #tpu.memory_space<vmem_shared>>)
      tpu.yield
    }) : () -> ()
    %add3A_13 = arith.constant 400 : i32
    %add3A_14 = arith.addi %mul3A_2, %add3A_13 : i32
    "tpu.region"() ({
      %run_scoped3A = tpu.sem_alloc : memref<!tpu.dma_semaphore, #tpu.memory_space<semaphore_mem>>
      %dma_start3A_134 = arith.constant 0 : i32
      %dma_start3A_135 = tpu.memref_slice %arg7[%add3A_14, %dma_start3A_134] : memref<10016x128xf32, #tpu.memory_space<vmem_shared>> -> memref<80x128xf32, #tpu.memory_space<vmem_shared>>
      %dma_start3A_136 = arith.constant 0 : i32
      %dma_start3A_137 = tpu.memref_slice %arg7[%add3A_14, %dma_start3A_136] : memref<10016x128xf32, #tpu.memory_space<vmem_shared>> -> memref<80x128xf32, #tpu.memory_space<vmem_shared>>
      tpu.enqueue_dma source(%arg10 : memref<80x128xf32, #tpu.memory_space<vmem>>) target(%dma_start3A_137 : memref<80x128xf32, #tpu.memory_space<vmem_shared>>) target_semaphore(%run_scoped3A : memref<!tpu.dma_semaphore, #tpu.memory_space<semaphore_mem>>)
      %dma_wait3A_138 = arith.constant 0 : i32
      %dma_wait3A_139 = tpu.memref_slice %arg7[%add3A_14, %dma_wait3A_138] : memref<10016x128xf32, #tpu.memory_space<vmem_shared>> -> memref<80x128xf32, #tpu.memory_space<vmem_shared>>
      %dma_wait3A_140 = arith.constant 0 : i32
      %dma_wait3A_141 = tpu.memref_slice %arg7[%add3A_14, %dma_wait3A_140] : memref<10016x128xf32, #tpu.memory_space<vmem_shared>> -> memref<80x128xf32, #tpu.memory_space<vmem_shared>>
      tpu.wait_dma2 semaphore(%run_scoped3A : memref<!tpu.dma_semaphore, #tpu.memory_space<semaphore_mem>>) src(%arg10 : memref<80x128xf32, #tpu.memory_space<vmem>>) dst(%dma_wait3A_141 : memref<80x128xf32, #tpu.memory_space<vmem_shared>>)
      tpu.yield
    }) : () -> ()
    %add3A_15 = arith.constant 480 : i32
    %add3A_16 = arith.addi %mul3A_2, %add3A_15 : i32
    "tpu.region"() ({
      %run_scoped3A = tpu.sem_alloc : memref<!tpu.dma_semaphore, #tpu.memory_space<semaphore_mem>>
      %dma_start3A_134 = arith.constant 0 : i32
      %dma_start3A_135 = tpu.memref_slice %arg7[%add3A_16, %dma_start3A_134] : memref<10016x128xf32, #tpu.memory_space<vmem_shared>> -> memref<80x128xf32, #tpu.memory_space<vmem_shared>>
      %dma_start3A_136 = arith.constant 0 : i32
      %dma_start3A_137 = tpu.memref_slice %arg7[%add3A_16, %dma_start3A_136] : memref<10016x128xf32, #tpu.memory_space<vmem_shared>> -> memref<80x128xf32, #tpu.memory_space<vmem_shared>>
      tpu.enqueue_dma source(%arg10 : memref<80x128xf32, #tpu.memory_space<vmem>>) target(%dma_start3A_137 : memref<80x128xf32, #tpu.memory_space<vmem_shared>>) target_semaphore(%run_scoped3A : memref<!tpu.dma_semaphore, #tpu.memory_space<semaphore_mem>>)
      %dma_wait3A_138 = arith.constant 0 : i32
      %dma_wait3A_139 = tpu.memref_slice %arg7[%add3A_16, %dma_wait3A_138] : memref<10016x128xf32, #tpu.memory_space<vmem_shared>> -> memref<80x128xf32, #tpu.memory_space<vmem_shared>>
      %dma_wait3A_140 = arith.constant 0 : i32
      %dma_wait3A_141 = tpu.memref_slice %arg7[%add3A_16, %dma_wait3A_140] : memref<10016x128xf32, #tpu.memory_space<vmem_shared>> -> memref<80x128xf32, #tpu.memory_space<vmem_shared>>
      tpu.wait_dma2 semaphore(%run_scoped3A : memref<!tpu.dma_semaphore, #tpu.memory_space<semaphore_mem>>) src(%arg10 : memref<80x128xf32, #tpu.memory_space<vmem>>) dst(%dma_wait3A_141 : memref<80x128xf32, #tpu.memory_space<vmem_shared>>)
      tpu.yield
    }) : () -> ()
    %add3A_17 = arith.constant 560 : i32
    %add3A_18 = arith.addi %mul3A_2, %add3A_17 : i32
    "tpu.region"() ({
      %run_scoped3A = tpu.sem_alloc : memref<!tpu.dma_semaphore, #tpu.memory_space<semaphore_mem>>
      %dma_start3A_134 = arith.constant 0 : i32
      %dma_start3A_135 = arith.constant 0 : i32
      %dma_start3A_136 = tpu.memref_slice %arg10[%dma_start3A_134, %dma_start3A_135] : memref<80x128xf32, #tpu.memory_space<vmem>> -> memref<66x128xf32, #tpu.memory_space<vmem>>
      %dma_start3A_137 = arith.constant 0 : i32
      %dma_start3A_138 = tpu.memref_slice %arg7[%add3A_18, %dma_start3A_137] : memref<10016x128xf32, #tpu.memory_space<vmem_shared>> -> memref<66x128xf32, #tpu.memory_space<vmem_shared>>
      %dma_start3A_139 = arith.constant 0 : i32
      %dma_start3A_140 = tpu.memref_slice %arg7[%add3A_18, %dma_start3A_139] : memref<10016x128xf32, #tpu.memory_space<vmem_shared>> -> memref<66x128xf32, #tpu.memory_space<vmem_shared>>
      %dma_start3A_141 = arith.constant 0 : i32
      %dma_start3A_142 = arith.constant 0 : i32
      %dma_start3A_143 = tpu.memref_slice %arg10[%dma_start3A_141, %dma_start3A_142] : memref<80x128xf32, #tpu.memory_space<vmem>> -> memref<66x128xf32, #tpu.memory_space<vmem>>
      tpu.enqueue_dma source(%dma_start3A_143 : memref<66x128xf32, #tpu.memory_space<vmem>>) target(%dma_start3A_140 : memref<66x128xf32, #tpu.memory_space<vmem_shared>>) target_semaphore(%run_scoped3A : memref<!tpu.dma_semaphore, #tpu.memory_space<semaphore_mem>>)
      %dma_wait3A_144 = arith.constant 0 : i32
      %dma_wait3A_145 = arith.constant 0 : i32
      %dma_wait3A_146 = tpu.memref_slice %arg10[%dma_wait3A_144, %dma_wait3A_145] : memref<80x128xf32, #tpu.memory_space<vmem>> -> memref<66x128xf32, #tpu.memory_space<vmem>>
      %dma_wait3A_147 = arith.constant 0 : i32
      %dma_wait3A_148 = tpu.memref_slice %arg7[%add3A_18, %dma_wait3A_147] : memref<10016x128xf32, #tpu.memory_space<vmem_shared>> -> memref<66x128xf32, #tpu.memory_space<vmem_shared>>
      %dma_wait3A_149 = arith.constant 0 : i32
      %dma_wait3A_150 = tpu.memref_slice %arg7[%add3A_18, %dma_wait3A_149] : memref<10016x128xf32, #tpu.memory_space<vmem_shared>> -> memref<66x128xf32, #tpu.memory_space<vmem_shared>>
      %dma_wait3A_151 = arith.constant 0 : i32
      %dma_wait3A_152 = arith.constant 0 : i32
      %dma_wait3A_153 = tpu.memref_slice %arg10[%dma_wait3A_151, %dma_wait3A_152] : memref<80x128xf32, #tpu.memory_space<vmem>> -> memref<66x128xf32, #tpu.memory_space<vmem>>
      tpu.wait_dma2 semaphore(%run_scoped3A : memref<!tpu.dma_semaphore, #tpu.memory_space<semaphore_mem>>) src(%dma_wait3A_153 : memref<66x128xf32, #tpu.memory_space<vmem>>) dst(%dma_wait3A_150 : memref<66x128xf32, #tpu.memory_space<vmem_shared>>)
      tpu.yield
    }) : () -> ()
    "tpu.region"() ({
      %run_scoped3A = tpu.sem_alloc : memref<!tpu.dma_semaphore, #tpu.memory_space<semaphore_mem>>
      %dma_start3A_134 = arith.constant 0 : i32
      %dma_start3A_135 = arith.constant 0 : i32
      %dma_start3A_136 = tpu.memref_slice %arg3[%add3A, %dma_start3A_134, %dma_start3A_135] : memref<32x125x80xi32, #tpu.memory_space<hbm>> -> memref<1x125x80xi32, #tpu.memory_space<hbm>>
      %dma_start3A_137 = tpu.memref_squeeze %dma_start3A_136 : memref<1x125x80xi32, #tpu.memory_space<hbm>> -> memref<125x80xi32, #tpu.memory_space<hbm>>
      %dma_start3A_138 = arith.constant 0 : i32
      %dma_start3A_139 = arith.constant 0 : i32
      %dma_start3A_140 = tpu.memref_slice %arg3[%add3A, %dma_start3A_138, %dma_start3A_139] : memref<32x125x80xi32, #tpu.memory_space<hbm>> -> memref<1x125x80xi32, #tpu.memory_space<hbm>>
      %dma_start3A_141 = tpu.memref_squeeze %dma_start3A_140 : memref<1x125x80xi32, #tpu.memory_space<hbm>> -> memref<125x80xi32, #tpu.memory_space<hbm>>
      tpu.enqueue_dma source(%dma_start3A_141 : memref<125x80xi32, #tpu.memory_space<hbm>>) target(%arg8 : memref<125x80xi32, #tpu.memory_space<vmem>>) target_semaphore(%run_scoped3A : memref<!tpu.dma_semaphore, #tpu.memory_space<semaphore_mem>>)
      %dma_wait3A_142 = arith.constant 0 : i32
      %dma_wait3A_143 = arith.constant 0 : i32
      %dma_wait3A_144 = tpu.memref_slice %arg3[%add3A, %dma_wait3A_142, %dma_wait3A_143] : memref<32x125x80xi32, #tpu.memory_space<hbm>> -> memref<1x125x80xi32, #tpu.memory_space<hbm>>
      %dma_wait3A_145 = tpu.memref_squeeze %dma_wait3A_144 : memref<1x125x80xi32, #tpu.memory_space<hbm>> -> memref<125x80xi32, #tpu.memory_space<hbm>>
      %dma_wait3A_146 = arith.constant 0 : i32
      %dma_wait3A_147 = arith.constant 0 : i32
      %dma_wait3A_148 = tpu.memref_slice %arg3[%add3A, %dma_wait3A_146, %dma_wait3A_147] : memref<32x125x80xi32, #tpu.memory_space<hbm>> -> memref<1x125x80xi32, #tpu.memory_space<hbm>>
      %dma_wait3A_149 = tpu.memref_squeeze %dma_wait3A_148 : memref<1x125x80xi32, #tpu.memory_space<hbm>> -> memref<125x80xi32, #tpu.memory_space<hbm>>
      tpu.wait_dma2 semaphore(%run_scoped3A : memref<!tpu.dma_semaphore, #tpu.memory_space<semaphore_mem>>) src(%dma_wait3A_149 : memref<125x80xi32, #tpu.memory_space<hbm>>) dst(%arg8 : memref<125x80xi32, #tpu.memory_space<vmem>>)
      tpu.yield
    }) : () -> ()
    "tpu.region"() ({
      %run_scoped3A = tpu.sem_alloc : memref<!tpu.dma_semaphore, #tpu.memory_space<semaphore_mem>>
      %dma_start3A_134 = arith.constant 0 : i32
      %dma_start3A_135 = arith.constant 0 : i32
      %dma_start3A_136 = tpu.memref_slice %arg4[%add3A, %dma_start3A_134, %dma_start3A_135] : memref<32x125x80xi32, #tpu.memory_space<hbm>> -> memref<1x125x80xi32, #tpu.memory_space<hbm>>
      %dma_start3A_137 = tpu.memref_squeeze %dma_start3A_136 : memref<1x125x80xi32, #tpu.memory_space<hbm>> -> memref<125x80xi32, #tpu.memory_space<hbm>>
      %dma_start3A_138 = arith.constant 0 : i32
      %dma_start3A_139 = arith.constant 0 : i32
      %dma_start3A_140 = tpu.memref_slice %arg4[%add3A, %dma_start3A_138, %dma_start3A_139] : memref<32x125x80xi32, #tpu.memory_space<hbm>> -> memref<1x125x80xi32, #tpu.memory_space<hbm>>
      %dma_start3A_141 = tpu.memref_squeeze %dma_start3A_140 : memref<1x125x80xi32, #tpu.memory_space<hbm>> -> memref<125x80xi32, #tpu.memory_space<hbm>>
      tpu.enqueue_dma source(%dma_start3A_141 : memref<125x80xi32, #tpu.memory_space<hbm>>) target(%arg9 : memref<125x80xi32, #tpu.memory_space<vmem>>) target_semaphore(%run_scoped3A : memref<!tpu.dma_semaphore, #tpu.memory_space<semaphore_mem>>)
      %dma_wait3A_142 = arith.constant 0 : i32
      %dma_wait3A_143 = arith.constant 0 : i32
      %dma_wait3A_144 = tpu.memref_slice %arg4[%add3A, %dma_wait3A_142, %dma_wait3A_143] : memref<32x125x80xi32, #tpu.memory_space<hbm>> -> memref<1x125x80xi32, #tpu.memory_space<hbm>>
      %dma_wait3A_145 = tpu.memref_squeeze %dma_wait3A_144 : memref<1x125x80xi32, #tpu.memory_space<hbm>> -> memref<125x80xi32, #tpu.memory_space<hbm>>
      %dma_wait3A_146 = arith.constant 0 : i32
      %dma_wait3A_147 = arith.constant 0 : i32
      %dma_wait3A_148 = tpu.memref_slice %arg4[%add3A, %dma_wait3A_146, %dma_wait3A_147] : memref<32x125x80xi32, #tpu.memory_space<hbm>> -> memref<1x125x80xi32, #tpu.memory_space<hbm>>
      %dma_wait3A_149 = tpu.memref_squeeze %dma_wait3A_148 : memref<1x125x80xi32, #tpu.memory_space<hbm>> -> memref<125x80xi32, #tpu.memory_space<hbm>>
      tpu.wait_dma2 semaphore(%run_scoped3A : memref<!tpu.dma_semaphore, #tpu.memory_space<semaphore_mem>>) src(%dma_wait3A_149 : memref<125x80xi32, #tpu.memory_space<hbm>>) dst(%arg9 : memref<125x80xi32, #tpu.memory_space<vmem>>)
      tpu.yield
    }) : () -> ()
    %barrier3A = arith.constant 0 : index
    tpu.barrier barrier_id(%barrier3A)
    %scan3A = arith.constant 0 : i32
    %scan3A_19 = arith.constant 0 : i32
    %scan3A_20 = arith.constant 41 : i32
    %scan3A_21 = arith.addi %scan3A_19, %scan3A_20 : i32
    %scan3A_22 = arith.constant 1 : i32
    scf.for %scan3A_134 = %scan3A_19 to %scan3A_21 step %scan3A_22  : i32 {
      %mul3A_135 = arith.constant 3 : i32
      %mul3A_136 = arith.muli %scan3A_134, %mul3A_135 : i32
      %add3A_137 = arith.constant 0 : i32
      %add3A_138 = arith.addi %mul3A_136, %add3A_137 : i32
      %gt3A = arith.constant 0 : i32
      %gt3A_139 = arith.cmpi sgt, %scan3A_134, %gt3A : i32
      %convert_element_type3A_140 = arith.extui %gt3A_139 : i1 to i32
      %cond3A_141 = arith.constant 0 : i32
      %cond3A_142 = arith.cmpi ne, %convert_element_type3A_140, %cond3A_141 : i32
      scf.if %cond3A_142 {
        %dma_wait3A_203 = arith.constant 0 : i32
        %dma_wait3A_204 = arith.constant 0 : i32
        %dma_wait3A_205 = tpu.memref_slice %arg9[%dma_wait3A_203, %dma_wait3A_204] : memref<125x80xi32, #tpu.memory_space<vmem>> -> memref<1x80xi32, #tpu.memory_space<vmem>>
        %dma_wait3A_206 = tpu.memref_squeeze %dma_wait3A_205 : memref<1x80xi32, #tpu.memory_space<vmem>> -> memref<80xi32, #tpu.memory_space<vmem>>
        %dma_wait3A_207 = arith.constant 0 : i32
        %dma_wait3A_208 = arith.constant 0 : i32
        %dma_wait3A_209 = tpu.memref_slice %arg7[%dma_wait3A_207, %dma_wait3A_208] : memref<10016x128xf32, #tpu.memory_space<vmem_shared>> -> memref<10016x128xf32, #tpu.memory_space<vmem_shared>>
        tpu.wait_indirect_dma semaphore(%arg16 : memref<!tpu.dma_semaphore, #tpu.memory_space<semaphore_mem>>) src(%arg10 : memref<80x128xf32, #tpu.memory_space<vmem>>) dst(%dma_wait3A_209 : memref<10016x128xf32, #tpu.memory_space<vmem_shared>>)
      } else {
      }
      %dma_start3A_143 = arith.constant 0 : i32
      %dma_start3A_144 = tpu.memref_slice %arg8[%add3A_138, %dma_start3A_143] : memref<125x80xi32, #tpu.memory_space<vmem>> -> memref<1x80xi32, #tpu.memory_space<vmem>>
      %dma_start3A_145 = tpu.memref_squeeze %dma_start3A_144 : memref<1x80xi32, #tpu.memory_space<vmem>> -> memref<80xi32, #tpu.memory_space<vmem>>
      %dma_start3A_146 = arith.constant 0 : i32
      %dma_start3A_147 = arith.constant 0 : i32
      %dma_start3A_148 = tpu.memref_slice %arg2[%dma_start3A_146, %dma_start3A_147] : memref<10000x128xf32, #tpu.memory_space<hbm>> -> memref<10000x128xf32, #tpu.memory_space<hbm>>
      tpu.enqueue_indirect_dma source(%dma_start3A_148 : memref<10000x128xf32, #tpu.memory_space<hbm>>) target(%arg10 : memref<80x128xf32, #tpu.memory_space<vmem>>) offsets(%dma_start3A_145 : memref<80xi32, #tpu.memory_space<vmem>>) semaphore(%arg13 : memref<!tpu.dma_semaphore, #tpu.memory_space<semaphore_mem>>)
      %gt3A_149 = arith.constant 0 : i32
      %gt3A_150 = arith.cmpi sgt, %scan3A_134, %gt3A_149 : i32
      %convert_element_type3A_151 = arith.extui %gt3A_150 : i1 to i32
      %cond3A_152 = arith.constant 0 : i32
      %cond3A_153 = arith.cmpi ne, %convert_element_type3A_151, %cond3A_152 : i32
      scf.if %cond3A_153 {
        %dma_wait3A_203 = arith.constant 0 : i32
        %dma_wait3A_204 = arith.constant 0 : i32
        %dma_wait3A_205 = tpu.memref_slice %arg8[%dma_wait3A_203, %dma_wait3A_204] : memref<125x80xi32, #tpu.memory_space<vmem>> -> memref<1x80xi32, #tpu.memory_space<vmem>>
        %dma_wait3A_206 = tpu.memref_squeeze %dma_wait3A_205 : memref<1x80xi32, #tpu.memory_space<vmem>> -> memref<80xi32, #tpu.memory_space<vmem>>
        %dma_wait3A_207 = arith.constant 0 : i32
        %dma_wait3A_208 = arith.constant 0 : i32
        %dma_wait3A_209 = tpu.memref_slice %arg2[%dma_wait3A_207, %dma_wait3A_208] : memref<10000x128xf32, #tpu.memory_space<hbm>> -> memref<10000x128xf32, #tpu.memory_space<hbm>>
        tpu.wait_indirect_dma semaphore(%arg14 : memref<!tpu.dma_semaphore, #tpu.memory_space<semaphore_mem>>) src(%dma_wait3A_209 : memref<10000x128xf32, #tpu.memory_space<hbm>>) dst(%arg11 : memref<80x128xf32, #tpu.memory_space<vmem>>)
        %sub3A_210 = arith.constant 2 : i32
        %sub3A_211 = arith.subi %add3A_138, %sub3A_210 : i32
        %dma_start3A_212 = arith.constant 0 : i32
        %dma_start3A_213 = tpu.memref_slice %arg9[%sub3A_211, %dma_start3A_212] : memref<125x80xi32, #tpu.memory_space<vmem>> -> memref<1x80xi32, #tpu.memory_space<vmem>>
        %dma_start3A_214 = tpu.memref_squeeze %dma_start3A_213 : memref<1x80xi32, #tpu.memory_space<vmem>> -> memref<80xi32, #tpu.memory_space<vmem>>
        %dma_start3A_215 = arith.constant 0 : i32
        %dma_start3A_216 = arith.constant 0 : i32
        %dma_start3A_217 = tpu.memref_slice %arg7[%dma_start3A_215, %dma_start3A_216] : memref<10016x128xf32, #tpu.memory_space<vmem_shared>> -> memref<10016x128xf32, #tpu.memory_space<vmem_shared>>
        tpu.enqueue_indirect_dma source(%arg11 : memref<80x128xf32, #tpu.memory_space<vmem>>) target(%dma_start3A_217 : memref<10016x128xf32, #tpu.memory_space<vmem_shared>>) offsets(%dma_start3A_214 : memref<80xi32, #tpu.memory_space<vmem>>) semaphore(%arg17 : memref<!tpu.dma_semaphore, #tpu.memory_space<semaphore_mem>>) {add = true}
      } else {
      }
      %mul3A_154 = arith.constant 3 : i32
      %mul3A_155 = arith.muli %scan3A_134, %mul3A_154 : i32
      %add3A_156 = arith.constant 1 : i32
      %add3A_157 = arith.addi %mul3A_155, %add3A_156 : i32
      %gt3A_158 = arith.constant 0 : i32
      %gt3A_159 = arith.cmpi sgt, %scan3A_134, %gt3A_158 : i32
      %convert_element_type3A_160 = arith.extui %gt3A_159 : i1 to i32
      %cond3A_161 = arith.constant 0 : i32
      %cond3A_162 = arith.cmpi ne, %convert_element_type3A_160, %cond3A_161 : i32
      scf.if %cond3A_162 {
        %dma_wait3A_203 = arith.constant 0 : i32
        %dma_wait3A_204 = arith.constant 0 : i32
        %dma_wait3A_205 = tpu.memref_slice %arg9[%dma_wait3A_203, %dma_wait3A_204] : memref<125x80xi32, #tpu.memory_space<vmem>> -> memref<1x80xi32, #tpu.memory_space<vmem>>
        %dma_wait3A_206 = tpu.memref_squeeze %dma_wait3A_205 : memref<1x80xi32, #tpu.memory_space<vmem>> -> memref<80xi32, #tpu.memory_space<vmem>>
        %dma_wait3A_207 = arith.constant 0 : i32
        %dma_wait3A_208 = arith.constant 0 : i32
        %dma_wait3A_209 = tpu.memref_slice %arg7[%dma_wait3A_207, %dma_wait3A_208] : memref<10016x128xf32, #tpu.memory_space<vmem_shared>> -> memref<10016x128xf32, #tpu.memory_space<vmem_shared>>
        tpu.wait_indirect_dma semaphore(%arg17 : memref<!tpu.dma_semaphore, #tpu.memory_space<semaphore_mem>>) src(%arg11 : memref<80x128xf32, #tpu.memory_space<vmem>>) dst(%dma_wait3A_209 : memref<10016x128xf32, #tpu.memory_space<vmem_shared>>)
      } else {
      }
      %dma_start3A_163 = arith.constant 0 : i32
      %dma_start3A_164 = tpu.memref_slice %arg8[%add3A_157, %dma_start3A_163] : memref<125x80xi32, #tpu.memory_space<vmem>> -> memref<1x80xi32, #tpu.memory_space<vmem>>
      %dma_start3A_165 = tpu.memref_squeeze %dma_start3A_164 : memref<1x80xi32, #tpu.memory_space<vmem>> -> memref<80xi32, #tpu.memory_space<vmem>>
      %dma_start3A_166 = arith.constant 0 : i32
      %dma_start3A_167 = arith.constant 0 : i32
      %dma_start3A_168 = tpu.memref_slice %arg2[%dma_start3A_166, %dma_start3A_167] : memref<10000x128xf32, #tpu.memory_space<hbm>> -> memref<10000x128xf32, #tpu.memory_space<hbm>>
      tpu.enqueue_indirect_dma source(%dma_start3A_168 : memref<10000x128xf32, #tpu.memory_space<hbm>>) target(%arg11 : memref<80x128xf32, #tpu.memory_space<vmem>>) offsets(%dma_start3A_165 : memref<80xi32, #tpu.memory_space<vmem>>) semaphore(%arg14 : memref<!tpu.dma_semaphore, #tpu.memory_space<semaphore_mem>>)
      %gt3A_169 = arith.constant 0 : i32
      %gt3A_170 = arith.cmpi sgt, %scan3A_134, %gt3A_169 : i32
      %convert_element_type3A_171 = arith.extui %gt3A_170 : i1 to i32
      %cond3A_172 = arith.constant 0 : i32
      %cond3A_173 = arith.cmpi ne, %convert_element_type3A_171, %cond3A_172 : i32
      scf.if %cond3A_173 {
        %dma_wait3A_203 = arith.constant 0 : i32
        %dma_wait3A_204 = arith.constant 0 : i32
        %dma_wait3A_205 = tpu.memref_slice %arg8[%dma_wait3A_203, %dma_wait3A_204] : memref<125x80xi32, #tpu.memory_space<vmem>> -> memref<1x80xi32, #tpu.memory_space<vmem>>
        %dma_wait3A_206 = tpu.memref_squeeze %dma_wait3A_205 : memref<1x80xi32, #tpu.memory_space<vmem>> -> memref<80xi32, #tpu.memory_space<vmem>>
        %dma_wait3A_207 = arith.constant 0 : i32
        %dma_wait3A_208 = arith.constant 0 : i32
        %dma_wait3A_209 = tpu.memref_slice %arg2[%dma_wait3A_207, %dma_wait3A_208] : memref<10000x128xf32, #tpu.memory_space<hbm>> -> memref<10000x128xf32, #tpu.memory_space<hbm>>
        tpu.wait_indirect_dma semaphore(%arg15 : memref<!tpu.dma_semaphore, #tpu.memory_space<semaphore_mem>>) src(%dma_wait3A_209 : memref<10000x128xf32, #tpu.memory_space<hbm>>) dst(%arg12 : memref<80x128xf32, #tpu.memory_space<vmem>>)
        %sub3A_210 = arith.constant 2 : i32
        %sub3A_211 = arith.subi %add3A_157, %sub3A_210 : i32
        %dma_start3A_212 = arith.constant 0 : i32
        %dma_start3A_213 = tpu.memref_slice %arg9[%sub3A_211, %dma_start3A_212] : memref<125x80xi32, #tpu.memory_space<vmem>> -> memref<1x80xi32, #tpu.memory_space<vmem>>
        %dma_start3A_214 = tpu.memref_squeeze %dma_start3A_213 : memref<1x80xi32, #tpu.memory_space<vmem>> -> memref<80xi32, #tpu.memory_space<vmem>>
        %dma_start3A_215 = arith.constant 0 : i32
        %dma_start3A_216 = arith.constant 0 : i32
        %dma_start3A_217 = tpu.memref_slice %arg7[%dma_start3A_215, %dma_start3A_216] : memref<10016x128xf32, #tpu.memory_space<vmem_shared>> -> memref<10016x128xf32, #tpu.memory_space<vmem_shared>>
        tpu.enqueue_indirect_dma source(%arg12 : memref<80x128xf32, #tpu.memory_space<vmem>>) target(%dma_start3A_217 : memref<10016x128xf32, #tpu.memory_space<vmem_shared>>) offsets(%dma_start3A_214 : memref<80xi32, #tpu.memory_space<vmem>>) semaphore(%arg18 : memref<!tpu.dma_semaphore, #tpu.memory_space<semaphore_mem>>) {add = true}
      } else {
      }
      %mul3A_174 = arith.constant 3 : i32
      %mul3A_175 = arith.muli %scan3A_134, %mul3A_174 : i32
      %add3A_176 = arith.constant 2 : i32
      %add3A_177 = arith.addi %mul3A_175, %add3A_176 : i32
      %gt3A_178 = arith.constant 0 : i32
      %gt3A_179 = arith.cmpi sgt, %scan3A_134, %gt3A_178 : i32
      %convert_element_type3A_180 = arith.extui %gt3A_179 : i1 to i32
      %cond3A_181 = arith.constant 0 : i32
      %cond3A_182 = arith.cmpi ne, %convert_element_type3A_180, %cond3A_181 : i32
      scf.if %cond3A_182 {
        %dma_wait3A_203 = arith.constant 0 : i32
        %dma_wait3A_204 = arith.constant 0 : i32
        %dma_wait3A_205 = tpu.memref_slice %arg9[%dma_wait3A_203, %dma_wait3A_204] : memref<125x80xi32, #tpu.memory_space<vmem>> -> memref<1x80xi32, #tpu.memory_space<vmem>>
        %dma_wait3A_206 = tpu.memref_squeeze %dma_wait3A_205 : memref<1x80xi32, #tpu.memory_space<vmem>> -> memref<80xi32, #tpu.memory_space<vmem>>
        %dma_wait3A_207 = arith.constant 0 : i32
        %dma_wait3A_208 = arith.constant 0 : i32
        %dma_wait3A_209 = tpu.memref_slice %arg7[%dma_wait3A_207, %dma_wait3A_208] : memref<10016x128xf32, #tpu.memory_space<vmem_shared>> -> memref<10016x128xf32, #tpu.memory_space<vmem_shared>>
        tpu.wait_indirect_dma semaphore(%arg18 : memref<!tpu.dma_semaphore, #tpu.memory_space<semaphore_mem>>) src(%arg12 : memref<80x128xf32, #tpu.memory_space<vmem>>) dst(%dma_wait3A_209 : memref<10016x128xf32, #tpu.memory_space<vmem_shared>>)
      } else {
      }
      %dma_start3A_183 = arith.constant 0 : i32
      %dma_start3A_184 = tpu.memref_slice %arg8[%add3A_177, %dma_start3A_183] : memref<125x80xi32, #tpu.memory_space<vmem>> -> memref<1x80xi32, #tpu.memory_space<vmem>>
      %dma_start3A_185 = tpu.memref_squeeze %dma_start3A_184 : memref<1x80xi32, #tpu.memory_space<vmem>> -> memref<80xi32, #tpu.memory_space<vmem>>
      %dma_start3A_186 = arith.constant 0 : i32
      %dma_start3A_187 = arith.constant 0 : i32
      %dma_start3A_188 = tpu.memref_slice %arg2[%dma_start3A_186, %dma_start3A_187] : memref<10000x128xf32, #tpu.memory_space<hbm>> -> memref<10000x128xf32, #tpu.memory_space<hbm>>
      tpu.enqueue_indirect_dma source(%dma_start3A_188 : memref<10000x128xf32, #tpu.memory_space<hbm>>) target(%arg12 : memref<80x128xf32, #tpu.memory_space<vmem>>) offsets(%dma_start3A_185 : memref<80xi32, #tpu.memory_space<vmem>>) semaphore(%arg15 : memref<!tpu.dma_semaphore, #tpu.memory_space<semaphore_mem>>)
      %dma_wait3A_189 = arith.constant 0 : i32
      %dma_wait3A_190 = arith.constant 0 : i32
      %dma_wait3A_191 = tpu.memref_slice %arg8[%dma_wait3A_189, %dma_wait3A_190] : memref<125x80xi32, #tpu.memory_space<vmem>> -> memref<1x80xi32, #tpu.memory_space<vmem>>
      %dma_wait3A_192 = tpu.memref_squeeze %dma_wait3A_191 : memref<1x80xi32, #tpu.memory_space<vmem>> -> memref<80xi32, #tpu.memory_space<vmem>>
      %dma_wait3A_193 = arith.constant 0 : i32
      %dma_wait3A_194 = arith.constant 0 : i32
      %dma_wait3A_195 = tpu.memref_slice %arg2[%dma_wait3A_193, %dma_wait3A_194] : memref<10000x128xf32, #tpu.memory_space<hbm>> -> memref<10000x128xf32, #tpu.memory_space<hbm>>
      tpu.wait_indirect_dma semaphore(%arg13 : memref<!tpu.dma_semaphore, #tpu.memory_space<semaphore_mem>>) src(%dma_wait3A_195 : memref<10000x128xf32, #tpu.memory_space<hbm>>) dst(%arg10 : memref<80x128xf32, #tpu.memory_space<vmem>>)
      %sub3A = arith.constant 2 : i32
      %sub3A_196 = arith.subi %add3A_177, %sub3A : i32
      %dma_start3A_197 = arith.constant 0 : i32
      %dma_start3A_198 = tpu.memref_slice %arg9[%sub3A_196, %dma_start3A_197] : memref<125x80xi32, #tpu.memory_space<vmem>> -> memref<1x80xi32, #tpu.memory_space<vmem>>
      %dma_start3A_199 = tpu.memref_squeeze %dma_start3A_198 : memref<1x80xi32, #tpu.memory_space<vmem>> -> memref<80xi32, #tpu.memory_space<vmem>>
      %dma_start3A_200 = arith.constant 0 : i32
      %dma_start3A_201 = arith.constant 0 : i32
      %dma_start3A_202 = tpu.memref_slice %arg7[%dma_start3A_200, %dma_start3A_201] : memref<10016x128xf32, #tpu.memory_space<vmem_shared>> -> memref<10016x128xf32, #tpu.memory_space<vmem_shared>>
      tpu.enqueue_indirect_dma source(%arg10 : memref<80x128xf32, #tpu.memory_space<vmem>>) target(%dma_start3A_202 : memref<10016x128xf32, #tpu.memory_space<vmem_shared>>) offsets(%dma_start3A_199 : memref<80xi32, #tpu.memory_space<vmem>>) semaphore(%arg16 : memref<!tpu.dma_semaphore, #tpu.memory_space<semaphore_mem>>) {add = true}
    }
    %scan3A_23 = arith.constant 41 : i32
    %dma_wait3A = arith.constant 0 : i32
    %dma_wait3A_24 = arith.constant 0 : i32
    %dma_wait3A_25 = tpu.memref_slice %arg9[%dma_wait3A, %dma_wait3A_24] : memref<125x80xi32, #tpu.memory_space<vmem>> -> memref<1x80xi32, #tpu.memory_space<vmem>>
    %dma_wait3A_26 = tpu.memref_squeeze %dma_wait3A_25 : memref<1x80xi32, #tpu.memory_space<vmem>> -> memref<80xi32, #tpu.memory_space<vmem>>
    %dma_wait3A_27 = arith.constant 0 : i32
    %dma_wait3A_28 = arith.constant 0 : i32
    %dma_wait3A_29 = tpu.memref_slice %arg7[%dma_wait3A_27, %dma_wait3A_28] : memref<10016x128xf32, #tpu.memory_space<vmem_shared>> -> memref<10016x128xf32, #tpu.memory_space<vmem_shared>>
    tpu.wait_indirect_dma semaphore(%arg16 : memref<!tpu.dma_semaphore, #tpu.memory_space<semaphore_mem>>) src(%arg10 : memref<80x128xf32, #tpu.memory_space<vmem>>) dst(%dma_wait3A_29 : memref<10016x128xf32, #tpu.memory_space<vmem_shared>>)
    %dma_start3A = arith.constant 123 : i32
    %dma_start3A_30 = arith.constant 0 : i32
    %dma_start3A_31 = tpu.memref_slice %arg8[%dma_start3A, %dma_start3A_30] : memref<125x80xi32, #tpu.memory_space<vmem>> -> memref<1x80xi32, #tpu.memory_space<vmem>>
    %dma_start3A_32 = tpu.memref_squeeze %dma_start3A_31 : memref<1x80xi32, #tpu.memory_space<vmem>> -> memref<80xi32, #tpu.memory_space<vmem>>
    %dma_start3A_33 = arith.constant 0 : i32
    %dma_start3A_34 = arith.constant 0 : i32
    %dma_start3A_35 = tpu.memref_slice %arg2[%dma_start3A_33, %dma_start3A_34] : memref<10000x128xf32, #tpu.memory_space<hbm>> -> memref<10000x128xf32, #tpu.memory_space<hbm>>
    tpu.enqueue_indirect_dma source(%dma_start3A_35 : memref<10000x128xf32, #tpu.memory_space<hbm>>) target(%arg10 : memref<80x128xf32, #tpu.memory_space<vmem>>) offsets(%dma_start3A_32 : memref<80xi32, #tpu.memory_space<vmem>>) semaphore(%arg13 : memref<!tpu.dma_semaphore, #tpu.memory_space<semaphore_mem>>)
    %dma_wait3A_36 = arith.constant 0 : i32
    %dma_wait3A_37 = arith.constant 0 : i32
    %dma_wait3A_38 = tpu.memref_slice %arg8[%dma_wait3A_36, %dma_wait3A_37] : memref<125x80xi32, #tpu.memory_space<vmem>> -> memref<1x80xi32, #tpu.memory_space<vmem>>
    %dma_wait3A_39 = tpu.memref_squeeze %dma_wait3A_38 : memref<1x80xi32, #tpu.memory_space<vmem>> -> memref<80xi32, #tpu.memory_space<vmem>>
    %dma_wait3A_40 = arith.constant 0 : i32
    %dma_wait3A_41 = arith.constant 0 : i32
    %dma_wait3A_42 = tpu.memref_slice %arg2[%dma_wait3A_40, %dma_wait3A_41] : memref<10000x128xf32, #tpu.memory_space<hbm>> -> memref<10000x128xf32, #tpu.memory_space<hbm>>
    tpu.wait_indirect_dma semaphore(%arg14 : memref<!tpu.dma_semaphore, #tpu.memory_space<semaphore_mem>>) src(%dma_wait3A_42 : memref<10000x128xf32, #tpu.memory_space<hbm>>) dst(%arg11 : memref<80x128xf32, #tpu.memory_space<vmem>>)
    %dma_start3A_43 = arith.constant 121 : i32
    %dma_start3A_44 = arith.constant 0 : i32
    %dma_start3A_45 = tpu.memref_slice %arg9[%dma_start3A_43, %dma_start3A_44] : memref<125x80xi32, #tpu.memory_space<vmem>> -> memref<1x80xi32, #tpu.memory_space<vmem>>
    %dma_start3A_46 = tpu.memref_squeeze %dma_start3A_45 : memref<1x80xi32, #tpu.memory_space<vmem>> -> memref<80xi32, #tpu.memory_space<vmem>>
    %dma_start3A_47 = arith.constant 0 : i32
    %dma_start3A_48 = arith.constant 0 : i32
    %dma_start3A_49 = tpu.memref_slice %arg7[%dma_start3A_47, %dma_start3A_48] : memref<10016x128xf32, #tpu.memory_space<vmem_shared>> -> memref<10016x128xf32, #tpu.memory_space<vmem_shared>>
    tpu.enqueue_indirect_dma source(%arg11 : memref<80x128xf32, #tpu.memory_space<vmem>>) target(%dma_start3A_49 : memref<10016x128xf32, #tpu.memory_space<vmem_shared>>) offsets(%dma_start3A_46 : memref<80xi32, #tpu.memory_space<vmem>>) semaphore(%arg17 : memref<!tpu.dma_semaphore, #tpu.memory_space<semaphore_mem>>) {add = true}
    %dma_wait3A_50 = arith.constant 0 : i32
    %dma_wait3A_51 = arith.constant 0 : i32
    %dma_wait3A_52 = tpu.memref_slice %arg9[%dma_wait3A_50, %dma_wait3A_51] : memref<125x80xi32, #tpu.memory_space<vmem>> -> memref<1x80xi32, #tpu.memory_space<vmem>>
    %dma_wait3A_53 = tpu.memref_squeeze %dma_wait3A_52 : memref<1x80xi32, #tpu.memory_space<vmem>> -> memref<80xi32, #tpu.memory_space<vmem>>
    %dma_wait3A_54 = arith.constant 0 : i32
    %dma_wait3A_55 = arith.constant 0 : i32
    %dma_wait3A_56 = tpu.memref_slice %arg7[%dma_wait3A_54, %dma_wait3A_55] : memref<10016x128xf32, #tpu.memory_space<vmem_shared>> -> memref<10016x128xf32, #tpu.memory_space<vmem_shared>>
    tpu.wait_indirect_dma semaphore(%arg17 : memref<!tpu.dma_semaphore, #tpu.memory_space<semaphore_mem>>) src(%arg11 : memref<80x128xf32, #tpu.memory_space<vmem>>) dst(%dma_wait3A_56 : memref<10016x128xf32, #tpu.memory_space<vmem_shared>>)
    %dma_start3A_57 = arith.constant 124 : i32
    %dma_start3A_58 = arith.constant 0 : i32
    %dma_start3A_59 = tpu.memref_slice %arg8[%dma_start3A_57, %dma_start3A_58] : memref<125x80xi32, #tpu.memory_space<vmem>> -> memref<1x80xi32, #tpu.memory_space<vmem>>
    %dma_start3A_60 = tpu.memref_squeeze %dma_start3A_59 : memref<1x80xi32, #tpu.memory_space<vmem>> -> memref<80xi32, #tpu.memory_space<vmem>>
    %dma_start3A_61 = arith.constant 0 : i32
    %dma_start3A_62 = arith.constant 0 : i32
    %dma_start3A_63 = tpu.memref_slice %arg2[%dma_start3A_61, %dma_start3A_62] : memref<10000x128xf32, #tpu.memory_space<hbm>> -> memref<10000x128xf32, #tpu.memory_space<hbm>>
    tpu.enqueue_indirect_dma source(%dma_start3A_63 : memref<10000x128xf32, #tpu.memory_space<hbm>>) target(%arg11 : memref<80x128xf32, #tpu.memory_space<vmem>>) offsets(%dma_start3A_60 : memref<80xi32, #tpu.memory_space<vmem>>) semaphore(%arg14 : memref<!tpu.dma_semaphore, #tpu.memory_space<semaphore_mem>>)
    %dma_wait3A_64 = arith.constant 0 : i32
    %dma_wait3A_65 = arith.constant 0 : i32
    %dma_wait3A_66 = tpu.memref_slice %arg8[%dma_wait3A_64, %dma_wait3A_65] : memref<125x80xi32, #tpu.memory_space<vmem>> -> memref<1x80xi32, #tpu.memory_space<vmem>>
    %dma_wait3A_67 = tpu.memref_squeeze %dma_wait3A_66 : memref<1x80xi32, #tpu.memory_space<vmem>> -> memref<80xi32, #tpu.memory_space<vmem>>
    %dma_wait3A_68 = arith.constant 0 : i32
    %dma_wait3A_69 = arith.constant 0 : i32
    %dma_wait3A_70 = tpu.memref_slice %arg2[%dma_wait3A_68, %dma_wait3A_69] : memref<10000x128xf32, #tpu.memory_space<hbm>> -> memref<10000x128xf32, #tpu.memory_space<hbm>>
    tpu.wait_indirect_dma semaphore(%arg15 : memref<!tpu.dma_semaphore, #tpu.memory_space<semaphore_mem>>) src(%dma_wait3A_70 : memref<10000x128xf32, #tpu.memory_space<hbm>>) dst(%arg12 : memref<80x128xf32, #tpu.memory_space<vmem>>)
    %dma_start3A_71 = arith.constant 122 : i32
    %dma_start3A_72 = arith.constant 0 : i32
    %dma_start3A_73 = tpu.memref_slice %arg9[%dma_start3A_71, %dma_start3A_72] : memref<125x80xi32, #tpu.memory_space<vmem>> -> memref<1x80xi32, #tpu.memory_space<vmem>>
    %dma_start3A_74 = tpu.memref_squeeze %dma_start3A_73 : memref<1x80xi32, #tpu.memory_space<vmem>> -> memref<80xi32, #tpu.memory_space<vmem>>
    %dma_start3A_75 = arith.constant 0 : i32
    %dma_start3A_76 = arith.constant 0 : i32
    %dma_start3A_77 = tpu.memref_slice %arg7[%dma_start3A_75, %dma_start3A_76] : memref<10016x128xf32, #tpu.memory_space<vmem_shared>> -> memref<10016x128xf32, #tpu.memory_space<vmem_shared>>
    tpu.enqueue_indirect_dma source(%arg12 : memref<80x128xf32, #tpu.memory_space<vmem>>) target(%dma_start3A_77 : memref<10016x128xf32, #tpu.memory_space<vmem_shared>>) offsets(%dma_start3A_74 : memref<80xi32, #tpu.memory_space<vmem>>) semaphore(%arg18 : memref<!tpu.dma_semaphore, #tpu.memory_space<semaphore_mem>>) {add = true}
    %dma_wait3A_78 = arith.constant 0 : i32
    %dma_wait3A_79 = arith.constant 0 : i32
    %dma_wait3A_80 = tpu.memref_slice %arg8[%dma_wait3A_78, %dma_wait3A_79] : memref<125x80xi32, #tpu.memory_space<vmem>> -> memref<1x80xi32, #tpu.memory_space<vmem>>
    %dma_wait3A_81 = tpu.memref_squeeze %dma_wait3A_80 : memref<1x80xi32, #tpu.memory_space<vmem>> -> memref<80xi32, #tpu.memory_space<vmem>>
    %dma_wait3A_82 = arith.constant 0 : i32
    %dma_wait3A_83 = arith.constant 0 : i32
    %dma_wait3A_84 = tpu.memref_slice %arg2[%dma_wait3A_82, %dma_wait3A_83] : memref<10000x128xf32, #tpu.memory_space<hbm>> -> memref<10000x128xf32, #tpu.memory_space<hbm>>
    tpu.wait_indirect_dma semaphore(%arg13 : memref<!tpu.dma_semaphore, #tpu.memory_space<semaphore_mem>>) src(%dma_wait3A_84 : memref<10000x128xf32, #tpu.memory_space<hbm>>) dst(%arg10 : memref<80x128xf32, #tpu.memory_space<vmem>>)
    %dma_start3A_85 = arith.constant 123 : i32
    %dma_start3A_86 = arith.constant 0 : i32
    %dma_start3A_87 = tpu.memref_slice %arg9[%dma_start3A_85, %dma_start3A_86] : memref<125x80xi32, #tpu.memory_space<vmem>> -> memref<1x80xi32, #tpu.memory_space<vmem>>
    %dma_start3A_88 = tpu.memref_squeeze %dma_start3A_87 : memref<1x80xi32, #tpu.memory_space<vmem>> -> memref<80xi32, #tpu.memory_space<vmem>>
    %dma_start3A_89 = arith.constant 0 : i32
    %dma_start3A_90 = arith.constant 0 : i32
    %dma_start3A_91 = tpu.memref_slice %arg7[%dma_start3A_89, %dma_start3A_90] : memref<10016x128xf32, #tpu.memory_space<vmem_shared>> -> memref<10016x128xf32, #tpu.memory_space<vmem_shared>>
    tpu.enqueue_indirect_dma source(%arg10 : memref<80x128xf32, #tpu.memory_space<vmem>>) target(%dma_start3A_91 : memref<10016x128xf32, #tpu.memory_space<vmem_shared>>) offsets(%dma_start3A_88 : memref<80xi32, #tpu.memory_space<vmem>>) semaphore(%arg16 : memref<!tpu.dma_semaphore, #tpu.memory_space<semaphore_mem>>) {add = true}
    %dma_wait3A_92 = arith.constant 0 : i32
    %dma_wait3A_93 = arith.constant 0 : i32
    %dma_wait3A_94 = tpu.memref_slice %arg8[%dma_wait3A_92, %dma_wait3A_93] : memref<125x80xi32, #tpu.memory_space<vmem>> -> memref<1x80xi32, #tpu.memory_space<vmem>>
    %dma_wait3A_95 = tpu.memref_squeeze %dma_wait3A_94 : memref<1x80xi32, #tpu.memory_space<vmem>> -> memref<80xi32, #tpu.memory_space<vmem>>
    %dma_wait3A_96 = arith.constant 0 : i32
    %dma_wait3A_97 = arith.constant 0 : i32
    %dma_wait3A_98 = tpu.memref_slice %arg2[%dma_wait3A_96, %dma_wait3A_97] : memref<10000x128xf32, #tpu.memory_space<hbm>> -> memref<10000x128xf32, #tpu.memory_space<hbm>>
    tpu.wait_indirect_dma semaphore(%arg14 : memref<!tpu.dma_semaphore, #tpu.memory_space<semaphore_mem>>) src(%dma_wait3A_98 : memref<10000x128xf32, #tpu.memory_space<hbm>>) dst(%arg11 : memref<80x128xf32, #tpu.memory_space<vmem>>)
    %dma_start3A_99 = arith.constant 124 : i32
    %dma_start3A_100 = arith.constant 0 : i32
    %dma_start3A_101 = tpu.memref_slice %arg9[%dma_start3A_99, %dma_start3A_100] : memref<125x80xi32, #tpu.memory_space<vmem>> -> memref<1x80xi32, #tpu.memory_space<vmem>>
    %dma_start3A_102 = tpu.memref_squeeze %dma_start3A_101 : memref<1x80xi32, #tpu.memory_space<vmem>> -> memref<80xi32, #tpu.memory_space<vmem>>
    %dma_start3A_103 = arith.constant 0 : i32
    %dma_start3A_104 = arith.constant 0 : i32
    %dma_start3A_105 = tpu.memref_slice %arg7[%dma_start3A_103, %dma_start3A_104] : memref<10016x128xf32, #tpu.memory_space<vmem_shared>> -> memref<10016x128xf32, #tpu.memory_space<vmem_shared>>
    tpu.enqueue_indirect_dma source(%arg11 : memref<80x128xf32, #tpu.memory_space<vmem>>) target(%dma_start3A_105 : memref<10016x128xf32, #tpu.memory_space<vmem_shared>>) offsets(%dma_start3A_102 : memref<80xi32, #tpu.memory_space<vmem>>) semaphore(%arg17 : memref<!tpu.dma_semaphore, #tpu.memory_space<semaphore_mem>>) {add = true}
    %dma_wait3A_106 = arith.constant 0 : i32
    %dma_wait3A_107 = arith.constant 0 : i32
    %dma_wait3A_108 = tpu.memref_slice %arg9[%dma_wait3A_106, %dma_wait3A_107] : memref<125x80xi32, #tpu.memory_space<vmem>> -> memref<1x80xi32, #tpu.memory_space<vmem>>
    %dma_wait3A_109 = tpu.memref_squeeze %dma_wait3A_108 : memref<1x80xi32, #tpu.memory_space<vmem>> -> memref<80xi32, #tpu.memory_space<vmem>>
    %dma_wait3A_110 = arith.constant 0 : i32
    %dma_wait3A_111 = arith.constant 0 : i32
    %dma_wait3A_112 = tpu.memref_slice %arg7[%dma_wait3A_110, %dma_wait3A_111] : memref<10016x128xf32, #tpu.memory_space<vmem_shared>> -> memref<10016x128xf32, #tpu.memory_space<vmem_shared>>
    tpu.wait_indirect_dma semaphore(%arg16 : memref<!tpu.dma_semaphore, #tpu.memory_space<semaphore_mem>>) src(%arg10 : memref<80x128xf32, #tpu.memory_space<vmem>>) dst(%dma_wait3A_112 : memref<10016x128xf32, #tpu.memory_space<vmem_shared>>)
    %dma_wait3A_113 = arith.constant 0 : i32
    %dma_wait3A_114 = arith.constant 0 : i32
    %dma_wait3A_115 = tpu.memref_slice %arg9[%dma_wait3A_113, %dma_wait3A_114] : memref<125x80xi32, #tpu.memory_space<vmem>> -> memref<1x80xi32, #tpu.memory_space<vmem>>
    %dma_wait3A_116 = tpu.memref_squeeze %dma_wait3A_115 : memref<1x80xi32, #tpu.memory_space<vmem>> -> memref<80xi32, #tpu.memory_space<vmem>>
    %dma_wait3A_117 = arith.constant 0 : i32
    %dma_wait3A_118 = arith.constant 0 : i32
    %dma_wait3A_119 = tpu.memref_slice %arg7[%dma_wait3A_117, %dma_wait3A_118] : memref<10016x128xf32, #tpu.memory_space<vmem_shared>> -> memref<10016x128xf32, #tpu.memory_space<vmem_shared>>
    tpu.wait_indirect_dma semaphore(%arg17 : memref<!tpu.dma_semaphore, #tpu.memory_space<semaphore_mem>>) src(%arg11 : memref<80x128xf32, #tpu.memory_space<vmem>>) dst(%dma_wait3A_119 : memref<10016x128xf32, #tpu.memory_space<vmem_shared>>)
    %dma_wait3A_120 = arith.constant 0 : i32
    %dma_wait3A_121 = arith.constant 0 : i32
    %dma_wait3A_122 = tpu.memref_slice %arg9[%dma_wait3A_120, %dma_wait3A_121] : memref<125x80xi32, #tpu.memory_space<vmem>> -> memref<1x80xi32, #tpu.memory_space<vmem>>
    %dma_wait3A_123 = tpu.memref_squeeze %dma_wait3A_122 : memref<1x80xi32, #tpu.memory_space<vmem>> -> memref<80xi32, #tpu.memory_space<vmem>>
    %dma_wait3A_124 = arith.constant 0 : i32
    %dma_wait3A_125 = arith.constant 0 : i32
    %dma_wait3A_126 = tpu.memref_slice %arg7[%dma_wait3A_124, %dma_wait3A_125] : memref<10016x128xf32, #tpu.memory_space<vmem_shared>> -> memref<10016x128xf32, #tpu.memory_space<vmem_shared>>
    tpu.wait_indirect_dma semaphore(%arg18 : memref<!tpu.dma_semaphore, #tpu.memory_space<semaphore_mem>>) src(%arg12 : memref<80x128xf32, #tpu.memory_space<vmem>>) dst(%dma_wait3A_126 : memref<10016x128xf32, #tpu.memory_space<vmem_shared>>)
    %barrier3A_127 = arith.constant 0 : index
    tpu.barrier barrier_id(%barrier3A_127)
    %lt3A = arith.constant 15 : i32
    %lt3A_128 = arith.cmpi slt, %arg1, %lt3A : i32
    %convert_element_type3A = arith.extui %lt3A_128 : i1 to i32
    %cond3A = arith.constant 0 : i32
    %cond3A_129 = arith.cmpi ne, %convert_element_type3A, %cond3A : i32
    scf.if %cond3A_129 {
      %mul3A_134 = arith.constant 10000 : i32
      %mul3A_135 = arith.muli %arg0, %mul3A_134 : i32
      %add3A_136 = arith.addi %mul3A_135, %mul3A_2 : i32
      "tpu.region"() ({
        %run_scoped3A = tpu.sem_alloc : memref<!tpu.dma_semaphore, #tpu.memory_space<semaphore_mem>>
        %dma_start3A_137 = arith.constant 0 : i32
        %dma_start3A_138 = tpu.memref_slice %arg6[%add3A_136, %dma_start3A_137] : memref<20000x128xf32, #tpu.memory_space<hbm>> -> memref<626x128xf32, #tpu.memory_space<hbm>>
        %dma_start3A_139 = arith.constant 0 : i32
        %dma_start3A_140 = tpu.memref_slice %arg7[%mul3A_2, %dma_start3A_139] : memref<10016x128xf32, #tpu.memory_space<vmem_shared>> -> memref<626x128xf32, #tpu.memory_space<vmem_shared>>
        tpu.enqueue_dma source(%dma_start3A_140 : memref<626x128xf32, #tpu.memory_space<vmem_shared>>) target(%dma_start3A_138 : memref<626x128xf32, #tpu.memory_space<hbm>>) target_semaphore(%run_scoped3A : memref<!tpu.dma_semaphore, #tpu.memory_space<semaphore_mem>>)
        %dma_wait3A_141 = arith.constant 0 : i32
        %dma_wait3A_142 = tpu.memref_slice %arg6[%add3A_136, %dma_wait3A_141] : memref<20000x128xf32, #tpu.memory_space<hbm>> -> memref<626x128xf32, #tpu.memory_space<hbm>>
        %dma_wait3A_143 = arith.constant 0 : i32
        %dma_wait3A_144 = tpu.memref_slice %arg7[%mul3A_2, %dma_wait3A_143] : memref<10016x128xf32, #tpu.memory_space<vmem_shared>> -> memref<626x128xf32, #tpu.memory_space<vmem_shared>>
        tpu.wait_dma2 semaphore(%run_scoped3A : memref<!tpu.dma_semaphore, #tpu.memory_space<semaphore_mem>>) src(%dma_wait3A_144 : memref<626x128xf32, #tpu.memory_space<vmem_shared>>) dst(%dma_wait3A_142 : memref<626x128xf32, #tpu.memory_space<hbm>>)
        tpu.yield
      }) : () -> ()
    } else {
    }
    %eq3A = arith.constant 15 : i32
    %eq3A_130 = arith.cmpi eq, %arg1, %eq3A : i32
    %convert_element_type3A_131 = arith.extui %eq3A_130 : i1 to i32
    %cond3A_132 = arith.constant 0 : i32
    %cond3A_133 = arith.cmpi ne, %convert_element_type3A_131, %cond3A_132 : i32
    scf.if %cond3A_133 {
      %mul3A_134 = arith.constant 10000 : i32
      %mul3A_135 = arith.muli %arg0, %mul3A_134 : i32
      %add3A_136 = arith.addi %mul3A_135, %mul3A_2 : i32
      "tpu.region"() ({
        %run_scoped3A = tpu.sem_alloc : memref<!tpu.dma_semaphore, #tpu.memory_space<semaphore_mem>>
        %dma_start3A_137 = arith.constant 0 : i32
        %dma_start3A_138 = tpu.memref_slice %arg6[%add3A_136, %dma_start3A_137] : memref<20000x128xf32, #tpu.memory_space<hbm>> -> memref<610x128xf32, #tpu.memory_space<hbm>>
        %dma_start3A_139 = arith.constant 0 : i32
        %dma_start3A_140 = tpu.memref_slice %arg7[%mul3A_2, %dma_start3A_139] : memref<10016x128xf32, #tpu.memory_space<vmem_shared>> -> memref<610x128xf32, #tpu.memory_space<vmem_shared>>
        tpu.enqueue_dma source(%dma_start3A_140 : memref<610x128xf32, #tpu.memory_space<vmem_shared>>) target(%dma_start3A_138 : memref<610x128xf32, #tpu.memory_space<hbm>>) target_semaphore(%run_scoped3A : memref<!tpu.dma_semaphore, #tpu.memory_space<semaphore_mem>>)
        %dma_wait3A_141 = arith.constant 0 : i32
        %dma_wait3A_142 = tpu.memref_slice %arg6[%add3A_136, %dma_wait3A_141] : memref<20000x128xf32, #tpu.memory_space<hbm>> -> memref<610x128xf32, #tpu.memory_space<hbm>>
        %dma_wait3A_143 = arith.constant 0 : i32
        %dma_wait3A_144 = tpu.memref_slice %arg7[%mul3A_2, %dma_wait3A_143] : memref<10016x128xf32, #tpu.memory_space<vmem_shared>> -> memref<610x128xf32, #tpu.memory_space<vmem_shared>>
        tpu.wait_dma2 semaphore(%run_scoped3A : memref<!tpu.dma_semaphore, #tpu.memory_space<semaphore_mem>>) src(%dma_wait3A_144 : memref<610x128xf32, #tpu.memory_space<vmem_shared>>) dst(%dma_wait3A_142 : memref<610x128xf32, #tpu.memory_space<hbm>>)
        tpu.yield
      }) : () -> ()
    } else {
    }
    return
  }
}

#map = affine_map<(d0, d1) -> (0, 0)>
#map1 = affine_map<(d0, d1) -> (0, 0, 0)>
module attributes {stable_mosaic.version = 14 : i64} {
  func.func @sc_scatter(%arg0: i32, %arg1: i32, %arg2: memref<10000x64xf32, #tpu.memory_space<hbm>>, %arg3: memref<32x125x80xi32, #tpu.memory_space<hbm>>, %arg4: memref<32x125x80xi32, #tpu.memory_space<hbm>>, %arg5: memref<80x64xf32, #tpu.memory_space<hbm>>, %arg6: memref<20000x64xf32, #tpu.memory_space<hbm>>, %arg7: memref<10016x64xf32, #tpu.memory_space<vmem_shared>>, %arg8: memref<125x80xi32, #tpu.memory_space<vmem>>, %arg9: memref<125x80xi32, #tpu.memory_space<vmem>>, %arg10: memref<80x64xf32, #tpu.memory_space<vmem>>, %arg11: memref<80x64xf32, #tpu.memory_space<vmem>>, %arg12: memref<80x64xf32, #tpu.memory_space<vmem>>, %arg13: memref<80x64xf32, #tpu.memory_space<vmem>>, %arg14: memref<80x64xf32, #tpu.memory_space<vmem>>, %arg15: memref<!tpu.dma_semaphore, #tpu.memory_space<semaphore_mem>>, %arg16: memref<!tpu.dma_semaphore, #tpu.memory_space<semaphore_mem>>, %arg17: memref<!tpu.dma_semaphore, #tpu.memory_space<semaphore_mem>>, %arg18: memref<!tpu.dma_semaphore, #tpu.memory_space<semaphore_mem>>, %arg19: memref<!tpu.dma_semaphore, #tpu.memory_space<semaphore_mem>>, %arg20: memref<!tpu.dma_semaphore, #tpu.memory_space<semaphore_mem>>, %arg21: memref<!tpu.dma_semaphore, #tpu.memory_space<semaphore_mem>>, %arg22: memref<!tpu.dma_semaphore, #tpu.memory_space<semaphore_mem>>, %arg23: memref<!tpu.dma_semaphore, #tpu.memory_space<semaphore_mem>>, %arg24: memref<!tpu.dma_semaphore, #tpu.memory_space<semaphore_mem>>) attributes {dimension_semantics = [#tpu.dimension_semantics<core_parallel>, #tpu.dimension_semantics<subcore_parallel>], iteration_bounds = array<i64: 2, 16>, scalar_prefetch = 0 : i64, scratch_operands = 18 : i64, tpu.core_type = #tpu.core_type<sc_vector_subcore>, window_params = [{transform_indices = #map}, {transform_indices = #map1}, {transform_indices = #map1}, {transform_indices = #map}, {transform_indices = #map}]} {
    %mul3A = arith.constant 2 : i32
    %mul3A_0 = arith.muli %arg1, %mul3A : i32
    %add3A = arith.addi %mul3A_0, %arg0 : i32
    %mul3A_1 = arith.constant 626 : i32
    %mul3A_2 = arith.muli %arg1, %mul3A_1 : i32
    "tpu.region"() ({
      %run_scoped3A = tpu.sem_alloc : memref<!tpu.dma_semaphore, #tpu.memory_space<semaphore_mem>>
      tpu.enqueue_dma source(%arg5 : memref<80x64xf32, #tpu.memory_space<hbm>>) target(%arg10 : memref<80x64xf32, #tpu.memory_space<vmem>>) target_semaphore(%run_scoped3A : memref<!tpu.dma_semaphore, #tpu.memory_space<semaphore_mem>>)
      tpu.wait_dma2 semaphore(%run_scoped3A : memref<!tpu.dma_semaphore, #tpu.memory_space<semaphore_mem>>) src(%arg5 : memref<80x64xf32, #tpu.memory_space<hbm>>) dst(%arg10 : memref<80x64xf32, #tpu.memory_space<vmem>>)
      tpu.yield
    }) : () -> ()
    %add3A_3 = arith.constant 0 : i32
    %add3A_4 = arith.addi %mul3A_2, %add3A_3 : i32
    "tpu.region"() ({
      %run_scoped3A = tpu.sem_alloc : memref<!tpu.dma_semaphore, #tpu.memory_space<semaphore_mem>>
      %dma_start3A_92 = arith.constant 0 : i32
      %dma_start3A_93 = tpu.memref_slice %arg7[%add3A_4, %dma_start3A_92] : memref<10016x64xf32, #tpu.memory_space<vmem_shared>> -> memref<80x64xf32, #tpu.memory_space<vmem_shared>>
      %dma_start3A_94 = arith.constant 0 : i32
      %dma_start3A_95 = tpu.memref_slice %arg7[%add3A_4, %dma_start3A_94] : memref<10016x64xf32, #tpu.memory_space<vmem_shared>> -> memref<80x64xf32, #tpu.memory_space<vmem_shared>>
      tpu.enqueue_dma source(%arg10 : memref<80x64xf32, #tpu.memory_space<vmem>>) target(%dma_start3A_95 : memref<80x64xf32, #tpu.memory_space<vmem_shared>>) target_semaphore(%run_scoped3A : memref<!tpu.dma_semaphore, #tpu.memory_space<semaphore_mem>>)
      %dma_wait3A_96 = arith.constant 0 : i32
      %dma_wait3A_97 = tpu.memref_slice %arg7[%add3A_4, %dma_wait3A_96] : memref<10016x64xf32, #tpu.memory_space<vmem_shared>> -> memref<80x64xf32, #tpu.memory_space<vmem_shared>>
      %dma_wait3A_98 = arith.constant 0 : i32
      %dma_wait3A_99 = tpu.memref_slice %arg7[%add3A_4, %dma_wait3A_98] : memref<10016x64xf32, #tpu.memory_space<vmem_shared>> -> memref<80x64xf32, #tpu.memory_space<vmem_shared>>
      tpu.wait_dma2 semaphore(%run_scoped3A : memref<!tpu.dma_semaphore, #tpu.memory_space<semaphore_mem>>) src(%arg10 : memref<80x64xf32, #tpu.memory_space<vmem>>) dst(%dma_wait3A_99 : memref<80x64xf32, #tpu.memory_space<vmem_shared>>)
      tpu.yield
    }) : () -> ()
    %add3A_5 = arith.constant 80 : i32
    %add3A_6 = arith.addi %mul3A_2, %add3A_5 : i32
    "tpu.region"() ({
      %run_scoped3A = tpu.sem_alloc : memref<!tpu.dma_semaphore, #tpu.memory_space<semaphore_mem>>
      %dma_start3A_92 = arith.constant 0 : i32
      %dma_start3A_93 = tpu.memref_slice %arg7[%add3A_6, %dma_start3A_92] : memref<10016x64xf32, #tpu.memory_space<vmem_shared>> -> memref<80x64xf32, #tpu.memory_space<vmem_shared>>
      %dma_start3A_94 = arith.constant 0 : i32
      %dma_start3A_95 = tpu.memref_slice %arg7[%add3A_6, %dma_start3A_94] : memref<10016x64xf32, #tpu.memory_space<vmem_shared>> -> memref<80x64xf32, #tpu.memory_space<vmem_shared>>
      tpu.enqueue_dma source(%arg10 : memref<80x64xf32, #tpu.memory_space<vmem>>) target(%dma_start3A_95 : memref<80x64xf32, #tpu.memory_space<vmem_shared>>) target_semaphore(%run_scoped3A : memref<!tpu.dma_semaphore, #tpu.memory_space<semaphore_mem>>)
      %dma_wait3A_96 = arith.constant 0 : i32
      %dma_wait3A_97 = tpu.memref_slice %arg7[%add3A_6, %dma_wait3A_96] : memref<10016x64xf32, #tpu.memory_space<vmem_shared>> -> memref<80x64xf32, #tpu.memory_space<vmem_shared>>
      %dma_wait3A_98 = arith.constant 0 : i32
      %dma_wait3A_99 = tpu.memref_slice %arg7[%add3A_6, %dma_wait3A_98] : memref<10016x64xf32, #tpu.memory_space<vmem_shared>> -> memref<80x64xf32, #tpu.memory_space<vmem_shared>>
      tpu.wait_dma2 semaphore(%run_scoped3A : memref<!tpu.dma_semaphore, #tpu.memory_space<semaphore_mem>>) src(%arg10 : memref<80x64xf32, #tpu.memory_space<vmem>>) dst(%dma_wait3A_99 : memref<80x64xf32, #tpu.memory_space<vmem_shared>>)
      tpu.yield
    }) : () -> ()
    %add3A_7 = arith.constant 160 : i32
    %add3A_8 = arith.addi %mul3A_2, %add3A_7 : i32
    "tpu.region"() ({
      %run_scoped3A = tpu.sem_alloc : memref<!tpu.dma_semaphore, #tpu.memory_space<semaphore_mem>>
      %dma_start3A_92 = arith.constant 0 : i32
      %dma_start3A_93 = tpu.memref_slice %arg7[%add3A_8, %dma_start3A_92] : memref<10016x64xf32, #tpu.memory_space<vmem_shared>> -> memref<80x64xf32, #tpu.memory_space<vmem_shared>>
      %dma_start3A_94 = arith.constant 0 : i32
      %dma_start3A_95 = tpu.memref_slice %arg7[%add3A_8, %dma_start3A_94] : memref<10016x64xf32, #tpu.memory_space<vmem_shared>> -> memref<80x64xf32, #tpu.memory_space<vmem_shared>>
      tpu.enqueue_dma source(%arg10 : memref<80x64xf32, #tpu.memory_space<vmem>>) target(%dma_start3A_95 : memref<80x64xf32, #tpu.memory_space<vmem_shared>>) target_semaphore(%run_scoped3A : memref<!tpu.dma_semaphore, #tpu.memory_space<semaphore_mem>>)
      %dma_wait3A_96 = arith.constant 0 : i32
      %dma_wait3A_97 = tpu.memref_slice %arg7[%add3A_8, %dma_wait3A_96] : memref<10016x64xf32, #tpu.memory_space<vmem_shared>> -> memref<80x64xf32, #tpu.memory_space<vmem_shared>>
      %dma_wait3A_98 = arith.constant 0 : i32
      %dma_wait3A_99 = tpu.memref_slice %arg7[%add3A_8, %dma_wait3A_98] : memref<10016x64xf32, #tpu.memory_space<vmem_shared>> -> memref<80x64xf32, #tpu.memory_space<vmem_shared>>
      tpu.wait_dma2 semaphore(%run_scoped3A : memref<!tpu.dma_semaphore, #tpu.memory_space<semaphore_mem>>) src(%arg10 : memref<80x64xf32, #tpu.memory_space<vmem>>) dst(%dma_wait3A_99 : memref<80x64xf32, #tpu.memory_space<vmem_shared>>)
      tpu.yield
    }) : () -> ()
    %add3A_9 = arith.constant 240 : i32
    %add3A_10 = arith.addi %mul3A_2, %add3A_9 : i32
    "tpu.region"() ({
      %run_scoped3A = tpu.sem_alloc : memref<!tpu.dma_semaphore, #tpu.memory_space<semaphore_mem>>
      %dma_start3A_92 = arith.constant 0 : i32
      %dma_start3A_93 = tpu.memref_slice %arg7[%add3A_10, %dma_start3A_92] : memref<10016x64xf32, #tpu.memory_space<vmem_shared>> -> memref<80x64xf32, #tpu.memory_space<vmem_shared>>
      %dma_start3A_94 = arith.constant 0 : i32
      %dma_start3A_95 = tpu.memref_slice %arg7[%add3A_10, %dma_start3A_94] : memref<10016x64xf32, #tpu.memory_space<vmem_shared>> -> memref<80x64xf32, #tpu.memory_space<vmem_shared>>
      tpu.enqueue_dma source(%arg10 : memref<80x64xf32, #tpu.memory_space<vmem>>) target(%dma_start3A_95 : memref<80x64xf32, #tpu.memory_space<vmem_shared>>) target_semaphore(%run_scoped3A : memref<!tpu.dma_semaphore, #tpu.memory_space<semaphore_mem>>)
      %dma_wait3A_96 = arith.constant 0 : i32
      %dma_wait3A_97 = tpu.memref_slice %arg7[%add3A_10, %dma_wait3A_96] : memref<10016x64xf32, #tpu.memory_space<vmem_shared>> -> memref<80x64xf32, #tpu.memory_space<vmem_shared>>
      %dma_wait3A_98 = arith.constant 0 : i32
      %dma_wait3A_99 = tpu.memref_slice %arg7[%add3A_10, %dma_wait3A_98] : memref<10016x64xf32, #tpu.memory_space<vmem_shared>> -> memref<80x64xf32, #tpu.memory_space<vmem_shared>>
      tpu.wait_dma2 semaphore(%run_scoped3A : memref<!tpu.dma_semaphore, #tpu.memory_space<semaphore_mem>>) src(%arg10 : memref<80x64xf32, #tpu.memory_space<vmem>>) dst(%dma_wait3A_99 : memref<80x64xf32, #tpu.memory_space<vmem_shared>>)
      tpu.yield
    }) : () -> ()
    %add3A_11 = arith.constant 320 : i32
    %add3A_12 = arith.addi %mul3A_2, %add3A_11 : i32
    "tpu.region"() ({
      %run_scoped3A = tpu.sem_alloc : memref<!tpu.dma_semaphore, #tpu.memory_space<semaphore_mem>>
      %dma_start3A_92 = arith.constant 0 : i32
      %dma_start3A_93 = tpu.memref_slice %arg7[%add3A_12, %dma_start3A_92] : memref<10016x64xf32, #tpu.memory_space<vmem_shared>> -> memref<80x64xf32, #tpu.memory_space<vmem_shared>>
      %dma_start3A_94 = arith.constant 0 : i32
      %dma_start3A_95 = tpu.memref_slice %arg7[%add3A_12, %dma_start3A_94] : memref<10016x64xf32, #tpu.memory_space<vmem_shared>> -> memref<80x64xf32, #tpu.memory_space<vmem_shared>>
      tpu.enqueue_dma source(%arg10 : memref<80x64xf32, #tpu.memory_space<vmem>>) target(%dma_start3A_95 : memref<80x64xf32, #tpu.memory_space<vmem_shared>>) target_semaphore(%run_scoped3A : memref<!tpu.dma_semaphore, #tpu.memory_space<semaphore_mem>>)
      %dma_wait3A_96 = arith.constant 0 : i32
      %dma_wait3A_97 = tpu.memref_slice %arg7[%add3A_12, %dma_wait3A_96] : memref<10016x64xf32, #tpu.memory_space<vmem_shared>> -> memref<80x64xf32, #tpu.memory_space<vmem_shared>>
      %dma_wait3A_98 = arith.constant 0 : i32
      %dma_wait3A_99 = tpu.memref_slice %arg7[%add3A_12, %dma_wait3A_98] : memref<10016x64xf32, #tpu.memory_space<vmem_shared>> -> memref<80x64xf32, #tpu.memory_space<vmem_shared>>
      tpu.wait_dma2 semaphore(%run_scoped3A : memref<!tpu.dma_semaphore, #tpu.memory_space<semaphore_mem>>) src(%arg10 : memref<80x64xf32, #tpu.memory_space<vmem>>) dst(%dma_wait3A_99 : memref<80x64xf32, #tpu.memory_space<vmem_shared>>)
      tpu.yield
    }) : () -> ()
    %add3A_13 = arith.constant 400 : i32
    %add3A_14 = arith.addi %mul3A_2, %add3A_13 : i32
    "tpu.region"() ({
      %run_scoped3A = tpu.sem_alloc : memref<!tpu.dma_semaphore, #tpu.memory_space<semaphore_mem>>
      %dma_start3A_92 = arith.constant 0 : i32
      %dma_start3A_93 = tpu.memref_slice %arg7[%add3A_14, %dma_start3A_92] : memref<10016x64xf32, #tpu.memory_space<vmem_shared>> -> memref<80x64xf32, #tpu.memory_space<vmem_shared>>
      %dma_start3A_94 = arith.constant 0 : i32
      %dma_start3A_95 = tpu.memref_slice %arg7[%add3A_14, %dma_start3A_94] : memref<10016x64xf32, #tpu.memory_space<vmem_shared>> -> memref<80x64xf32, #tpu.memory_space<vmem_shared>>
      tpu.enqueue_dma source(%arg10 : memref<80x64xf32, #tpu.memory_space<vmem>>) target(%dma_start3A_95 : memref<80x64xf32, #tpu.memory_space<vmem_shared>>) target_semaphore(%run_scoped3A : memref<!tpu.dma_semaphore, #tpu.memory_space<semaphore_mem>>)
      %dma_wait3A_96 = arith.constant 0 : i32
      %dma_wait3A_97 = tpu.memref_slice %arg7[%add3A_14, %dma_wait3A_96] : memref<10016x64xf32, #tpu.memory_space<vmem_shared>> -> memref<80x64xf32, #tpu.memory_space<vmem_shared>>
      %dma_wait3A_98 = arith.constant 0 : i32
      %dma_wait3A_99 = tpu.memref_slice %arg7[%add3A_14, %dma_wait3A_98] : memref<10016x64xf32, #tpu.memory_space<vmem_shared>> -> memref<80x64xf32, #tpu.memory_space<vmem_shared>>
      tpu.wait_dma2 semaphore(%run_scoped3A : memref<!tpu.dma_semaphore, #tpu.memory_space<semaphore_mem>>) src(%arg10 : memref<80x64xf32, #tpu.memory_space<vmem>>) dst(%dma_wait3A_99 : memref<80x64xf32, #tpu.memory_space<vmem_shared>>)
      tpu.yield
    }) : () -> ()
    %add3A_15 = arith.constant 480 : i32
    %add3A_16 = arith.addi %mul3A_2, %add3A_15 : i32
    "tpu.region"() ({
      %run_scoped3A = tpu.sem_alloc : memref<!tpu.dma_semaphore, #tpu.memory_space<semaphore_mem>>
      %dma_start3A_92 = arith.constant 0 : i32
      %dma_start3A_93 = tpu.memref_slice %arg7[%add3A_16, %dma_start3A_92] : memref<10016x64xf32, #tpu.memory_space<vmem_shared>> -> memref<80x64xf32, #tpu.memory_space<vmem_shared>>
      %dma_start3A_94 = arith.constant 0 : i32
      %dma_start3A_95 = tpu.memref_slice %arg7[%add3A_16, %dma_start3A_94] : memref<10016x64xf32, #tpu.memory_space<vmem_shared>> -> memref<80x64xf32, #tpu.memory_space<vmem_shared>>
      tpu.enqueue_dma source(%arg10 : memref<80x64xf32, #tpu.memory_space<vmem>>) target(%dma_start3A_95 : memref<80x64xf32, #tpu.memory_space<vmem_shared>>) target_semaphore(%run_scoped3A : memref<!tpu.dma_semaphore, #tpu.memory_space<semaphore_mem>>)
      %dma_wait3A_96 = arith.constant 0 : i32
      %dma_wait3A_97 = tpu.memref_slice %arg7[%add3A_16, %dma_wait3A_96] : memref<10016x64xf32, #tpu.memory_space<vmem_shared>> -> memref<80x64xf32, #tpu.memory_space<vmem_shared>>
      %dma_wait3A_98 = arith.constant 0 : i32
      %dma_wait3A_99 = tpu.memref_slice %arg7[%add3A_16, %dma_wait3A_98] : memref<10016x64xf32, #tpu.memory_space<vmem_shared>> -> memref<80x64xf32, #tpu.memory_space<vmem_shared>>
      tpu.wait_dma2 semaphore(%run_scoped3A : memref<!tpu.dma_semaphore, #tpu.memory_space<semaphore_mem>>) src(%arg10 : memref<80x64xf32, #tpu.memory_space<vmem>>) dst(%dma_wait3A_99 : memref<80x64xf32, #tpu.memory_space<vmem_shared>>)
      tpu.yield
    }) : () -> ()
    %add3A_17 = arith.constant 560 : i32
    %add3A_18 = arith.addi %mul3A_2, %add3A_17 : i32
    "tpu.region"() ({
      %run_scoped3A = tpu.sem_alloc : memref<!tpu.dma_semaphore, #tpu.memory_space<semaphore_mem>>
      %dma_start3A_92 = arith.constant 0 : i32
      %dma_start3A_93 = arith.constant 0 : i32
      %dma_start3A_94 = tpu.memref_slice %arg10[%dma_start3A_92, %dma_start3A_93] : memref<80x64xf32, #tpu.memory_space<vmem>> -> memref<66x64xf32, #tpu.memory_space<vmem>>
      %dma_start3A_95 = arith.constant 0 : i32
      %dma_start3A_96 = tpu.memref_slice %arg7[%add3A_18, %dma_start3A_95] : memref<10016x64xf32, #tpu.memory_space<vmem_shared>> -> memref<66x64xf32, #tpu.memory_space<vmem_shared>>
      %dma_start3A_97 = arith.constant 0 : i32
      %dma_start3A_98 = tpu.memref_slice %arg7[%add3A_18, %dma_start3A_97] : memref<10016x64xf32, #tpu.memory_space<vmem_shared>> -> memref<66x64xf32, #tpu.memory_space<vmem_shared>>
      %dma_start3A_99 = arith.constant 0 : i32
      %dma_start3A_100 = arith.constant 0 : i32
      %dma_start3A_101 = tpu.memref_slice %arg10[%dma_start3A_99, %dma_start3A_100] : memref<80x64xf32, #tpu.memory_space<vmem>> -> memref<66x64xf32, #tpu.memory_space<vmem>>
      tpu.enqueue_dma source(%dma_start3A_101 : memref<66x64xf32, #tpu.memory_space<vmem>>) target(%dma_start3A_98 : memref<66x64xf32, #tpu.memory_space<vmem_shared>>) target_semaphore(%run_scoped3A : memref<!tpu.dma_semaphore, #tpu.memory_space<semaphore_mem>>)
      %dma_wait3A_102 = arith.constant 0 : i32
      %dma_wait3A_103 = arith.constant 0 : i32
      %dma_wait3A_104 = tpu.memref_slice %arg10[%dma_wait3A_102, %dma_wait3A_103] : memref<80x64xf32, #tpu.memory_space<vmem>> -> memref<66x64xf32, #tpu.memory_space<vmem>>
      %dma_wait3A_105 = arith.constant 0 : i32
      %dma_wait3A_106 = tpu.memref_slice %arg7[%add3A_18, %dma_wait3A_105] : memref<10016x64xf32, #tpu.memory_space<vmem_shared>> -> memref<66x64xf32, #tpu.memory_space<vmem_shared>>
      %dma_wait3A_107 = arith.constant 0 : i32
      %dma_wait3A_108 = tpu.memref_slice %arg7[%add3A_18, %dma_wait3A_107] : memref<10016x64xf32, #tpu.memory_space<vmem_shared>> -> memref<66x64xf32, #tpu.memory_space<vmem_shared>>
      %dma_wait3A_109 = arith.constant 0 : i32
      %dma_wait3A_110 = arith.constant 0 : i32
      %dma_wait3A_111 = tpu.memref_slice %arg10[%dma_wait3A_109, %dma_wait3A_110] : memref<80x64xf32, #tpu.memory_space<vmem>> -> memref<66x64xf32, #tpu.memory_space<vmem>>
      tpu.wait_dma2 semaphore(%run_scoped3A : memref<!tpu.dma_semaphore, #tpu.memory_space<semaphore_mem>>) src(%dma_wait3A_111 : memref<66x64xf32, #tpu.memory_space<vmem>>) dst(%dma_wait3A_108 : memref<66x64xf32, #tpu.memory_space<vmem_shared>>)
      tpu.yield
    }) : () -> ()
    "tpu.region"() ({
      %run_scoped3A = tpu.sem_alloc : memref<!tpu.dma_semaphore, #tpu.memory_space<semaphore_mem>>
      %dma_start3A_92 = arith.constant 0 : i32
      %dma_start3A_93 = arith.constant 0 : i32
      %dma_start3A_94 = tpu.memref_slice %arg3[%add3A, %dma_start3A_92, %dma_start3A_93] : memref<32x125x80xi32, #tpu.memory_space<hbm>> -> memref<1x125x80xi32, #tpu.memory_space<hbm>>
      %dma_start3A_95 = tpu.memref_squeeze %dma_start3A_94 : memref<1x125x80xi32, #tpu.memory_space<hbm>> -> memref<125x80xi32, #tpu.memory_space<hbm>>
      %dma_start3A_96 = arith.constant 0 : i32
      %dma_start3A_97 = arith.constant 0 : i32
      %dma_start3A_98 = tpu.memref_slice %arg3[%add3A, %dma_start3A_96, %dma_start3A_97] : memref<32x125x80xi32, #tpu.memory_space<hbm>> -> memref<1x125x80xi32, #tpu.memory_space<hbm>>
      %dma_start3A_99 = tpu.memref_squeeze %dma_start3A_98 : memref<1x125x80xi32, #tpu.memory_space<hbm>> -> memref<125x80xi32, #tpu.memory_space<hbm>>
      tpu.enqueue_dma source(%dma_start3A_99 : memref<125x80xi32, #tpu.memory_space<hbm>>) target(%arg8 : memref<125x80xi32, #tpu.memory_space<vmem>>) target_semaphore(%run_scoped3A : memref<!tpu.dma_semaphore, #tpu.memory_space<semaphore_mem>>)
      %dma_wait3A_100 = arith.constant 0 : i32
      %dma_wait3A_101 = arith.constant 0 : i32
      %dma_wait3A_102 = tpu.memref_slice %arg3[%add3A, %dma_wait3A_100, %dma_wait3A_101] : memref<32x125x80xi32, #tpu.memory_space<hbm>> -> memref<1x125x80xi32, #tpu.memory_space<hbm>>
      %dma_wait3A_103 = tpu.memref_squeeze %dma_wait3A_102 : memref<1x125x80xi32, #tpu.memory_space<hbm>> -> memref<125x80xi32, #tpu.memory_space<hbm>>
      %dma_wait3A_104 = arith.constant 0 : i32
      %dma_wait3A_105 = arith.constant 0 : i32
      %dma_wait3A_106 = tpu.memref_slice %arg3[%add3A, %dma_wait3A_104, %dma_wait3A_105] : memref<32x125x80xi32, #tpu.memory_space<hbm>> -> memref<1x125x80xi32, #tpu.memory_space<hbm>>
      %dma_wait3A_107 = tpu.memref_squeeze %dma_wait3A_106 : memref<1x125x80xi32, #tpu.memory_space<hbm>> -> memref<125x80xi32, #tpu.memory_space<hbm>>
      tpu.wait_dma2 semaphore(%run_scoped3A : memref<!tpu.dma_semaphore, #tpu.memory_space<semaphore_mem>>) src(%dma_wait3A_107 : memref<125x80xi32, #tpu.memory_space<hbm>>) dst(%arg8 : memref<125x80xi32, #tpu.memory_space<vmem>>)
      tpu.yield
    }) : () -> ()
    "tpu.region"() ({
      %run_scoped3A = tpu.sem_alloc : memref<!tpu.dma_semaphore, #tpu.memory_space<semaphore_mem>>
      %dma_start3A_92 = arith.constant 0 : i32
      %dma_start3A_93 = arith.constant 0 : i32
      %dma_start3A_94 = tpu.memref_slice %arg4[%add3A, %dma_start3A_92, %dma_start3A_93] : memref<32x125x80xi32, #tpu.memory_space<hbm>> -> memref<1x125x80xi32, #tpu.memory_space<hbm>>
      %dma_start3A_95 = tpu.memref_squeeze %dma_start3A_94 : memref<1x125x80xi32, #tpu.memory_space<hbm>> -> memref<125x80xi32, #tpu.memory_space<hbm>>
      %dma_start3A_96 = arith.constant 0 : i32
      %dma_start3A_97 = arith.constant 0 : i32
      %dma_start3A_98 = tpu.memref_slice %arg4[%add3A, %dma_start3A_96, %dma_start3A_97] : memref<32x125x80xi32, #tpu.memory_space<hbm>> -> memref<1x125x80xi32, #tpu.memory_space<hbm>>
      %dma_start3A_99 = tpu.memref_squeeze %dma_start3A_98 : memref<1x125x80xi32, #tpu.memory_space<hbm>> -> memref<125x80xi32, #tpu.memory_space<hbm>>
      tpu.enqueue_dma source(%dma_start3A_99 : memref<125x80xi32, #tpu.memory_space<hbm>>) target(%arg9 : memref<125x80xi32, #tpu.memory_space<vmem>>) target_semaphore(%run_scoped3A : memref<!tpu.dma_semaphore, #tpu.memory_space<semaphore_mem>>)
      %dma_wait3A_100 = arith.constant 0 : i32
      %dma_wait3A_101 = arith.constant 0 : i32
      %dma_wait3A_102 = tpu.memref_slice %arg4[%add3A, %dma_wait3A_100, %dma_wait3A_101] : memref<32x125x80xi32, #tpu.memory_space<hbm>> -> memref<1x125x80xi32, #tpu.memory_space<hbm>>
      %dma_wait3A_103 = tpu.memref_squeeze %dma_wait3A_102 : memref<1x125x80xi32, #tpu.memory_space<hbm>> -> memref<125x80xi32, #tpu.memory_space<hbm>>
      %dma_wait3A_104 = arith.constant 0 : i32
      %dma_wait3A_105 = arith.constant 0 : i32
      %dma_wait3A_106 = tpu.memref_slice %arg4[%add3A, %dma_wait3A_104, %dma_wait3A_105] : memref<32x125x80xi32, #tpu.memory_space<hbm>> -> memref<1x125x80xi32, #tpu.memory_space<hbm>>
      %dma_wait3A_107 = tpu.memref_squeeze %dma_wait3A_106 : memref<1x125x80xi32, #tpu.memory_space<hbm>> -> memref<125x80xi32, #tpu.memory_space<hbm>>
      tpu.wait_dma2 semaphore(%run_scoped3A : memref<!tpu.dma_semaphore, #tpu.memory_space<semaphore_mem>>) src(%dma_wait3A_107 : memref<125x80xi32, #tpu.memory_space<hbm>>) dst(%arg9 : memref<125x80xi32, #tpu.memory_space<vmem>>)
      tpu.yield
    }) : () -> ()
    %barrier3A = arith.constant 0 : index
    tpu.barrier barrier_id(%barrier3A)
    %scan3A = arith.constant 0 : i32
    %scan3A_19 = arith.constant 0 : i32
    %scan3A_20 = arith.constant 25 : i32
    %scan3A_21 = arith.addi %scan3A_19, %scan3A_20 : i32
    %scan3A_22 = arith.constant 1 : i32
    scf.for %scan3A_92 = %scan3A_19 to %scan3A_21 step %scan3A_22  : i32 {
      %mul3A_93 = arith.constant 5 : i32
      %mul3A_94 = arith.muli %scan3A_92, %mul3A_93 : i32
      %add3A_95 = arith.constant 0 : i32
      %add3A_96 = arith.addi %mul3A_94, %add3A_95 : i32
      %gt3A = arith.constant 0 : i32
      %gt3A_97 = arith.cmpi sgt, %scan3A_92, %gt3A : i32
      %convert_element_type3A_98 = arith.extui %gt3A_97 : i1 to i32
      %cond3A_99 = arith.constant 0 : i32
      %cond3A_100 = arith.cmpi ne, %convert_element_type3A_98, %cond3A_99 : i32
      scf.if %cond3A_100 {
        %dma_wait3A_221 = arith.constant 0 : i32
        %dma_wait3A_222 = arith.constant 0 : i32
        %dma_wait3A_223 = tpu.memref_slice %arg9[%dma_wait3A_221, %dma_wait3A_222] : memref<125x80xi32, #tpu.memory_space<vmem>> -> memref<1x80xi32, #tpu.memory_space<vmem>>
        %dma_wait3A_224 = tpu.memref_squeeze %dma_wait3A_223 : memref<1x80xi32, #tpu.memory_space<vmem>> -> memref<80xi32, #tpu.memory_space<vmem>>
        %dma_wait3A_225 = arith.constant 0 : i32
        %dma_wait3A_226 = arith.constant 0 : i32
        %dma_wait3A_227 = tpu.memref_slice %arg7[%dma_wait3A_225, %dma_wait3A_226] : memref<10016x64xf32, #tpu.memory_space<vmem_shared>> -> memref<10016x64xf32, #tpu.memory_space<vmem_shared>>
        tpu.wait_indirect_dma semaphore(%arg20 : memref<!tpu.dma_semaphore, #tpu.memory_space<semaphore_mem>>) src(%arg10 : memref<80x64xf32, #tpu.memory_space<vmem>>) dst(%dma_wait3A_227 : memref<10016x64xf32, #tpu.memory_space<vmem_shared>>)
      } else {
      }
      %dma_start3A_101 = arith.constant 0 : i32
      %dma_start3A_102 = tpu.memref_slice %arg8[%add3A_96, %dma_start3A_101] : memref<125x80xi32, #tpu.memory_space<vmem>> -> memref<1x80xi32, #tpu.memory_space<vmem>>
      %dma_start3A_103 = tpu.memref_squeeze %dma_start3A_102 : memref<1x80xi32, #tpu.memory_space<vmem>> -> memref<80xi32, #tpu.memory_space<vmem>>
      %dma_start3A_104 = arith.constant 0 : i32
      %dma_start3A_105 = arith.constant 0 : i32
      %dma_start3A_106 = tpu.memref_slice %arg2[%dma_start3A_104, %dma_start3A_105] : memref<10000x64xf32, #tpu.memory_space<hbm>> -> memref<10000x64xf32, #tpu.memory_space<hbm>>
      tpu.enqueue_indirect_dma source(%dma_start3A_106 : memref<10000x64xf32, #tpu.memory_space<hbm>>) target(%arg10 : memref<80x64xf32, #tpu.memory_space<vmem>>) offsets(%dma_start3A_103 : memref<80xi32, #tpu.memory_space<vmem>>) semaphore(%arg15 : memref<!tpu.dma_semaphore, #tpu.memory_space<semaphore_mem>>)
      %gt3A_107 = arith.constant 0 : i32
      %gt3A_108 = arith.cmpi sgt, %scan3A_92, %gt3A_107 : i32
      %convert_element_type3A_109 = arith.extui %gt3A_108 : i1 to i32
      %cond3A_110 = arith.constant 0 : i32
      %cond3A_111 = arith.cmpi ne, %convert_element_type3A_109, %cond3A_110 : i32
      scf.if %cond3A_111 {
        %dma_wait3A_221 = arith.constant 0 : i32
        %dma_wait3A_222 = arith.constant 0 : i32
        %dma_wait3A_223 = tpu.memref_slice %arg8[%dma_wait3A_221, %dma_wait3A_222] : memref<125x80xi32, #tpu.memory_space<vmem>> -> memref<1x80xi32, #tpu.memory_space<vmem>>
        %dma_wait3A_224 = tpu.memref_squeeze %dma_wait3A_223 : memref<1x80xi32, #tpu.memory_space<vmem>> -> memref<80xi32, #tpu.memory_space<vmem>>
        %dma_wait3A_225 = arith.constant 0 : i32
        %dma_wait3A_226 = arith.constant 0 : i32
        %dma_wait3A_227 = tpu.memref_slice %arg2[%dma_wait3A_225, %dma_wait3A_226] : memref<10000x64xf32, #tpu.memory_space<hbm>> -> memref<10000x64xf32, #tpu.memory_space<hbm>>
        tpu.wait_indirect_dma semaphore(%arg18 : memref<!tpu.dma_semaphore, #tpu.memory_space<semaphore_mem>>) src(%dma_wait3A_227 : memref<10000x64xf32, #tpu.memory_space<hbm>>) dst(%arg13 : memref<80x64xf32, #tpu.memory_space<vmem>>)
        %sub3A_228 = arith.constant 2 : i32
        %sub3A_229 = arith.subi %add3A_96, %sub3A_228 : i32
        %dma_start3A_230 = arith.constant 0 : i32
        %dma_start3A_231 = tpu.memref_slice %arg9[%sub3A_229, %dma_start3A_230] : memref<125x80xi32, #tpu.memory_space<vmem>> -> memref<1x80xi32, #tpu.memory_space<vmem>>
        %dma_start3A_232 = tpu.memref_squeeze %dma_start3A_231 : memref<1x80xi32, #tpu.memory_space<vmem>> -> memref<80xi32, #tpu.memory_space<vmem>>
        %dma_start3A_233 = arith.constant 0 : i32
        %dma_start3A_234 = arith.constant 0 : i32
        %dma_start3A_235 = tpu.memref_slice %arg7[%dma_start3A_233, %dma_start3A_234] : memref<10016x64xf32, #tpu.memory_space<vmem_shared>> -> memref<10016x64xf32, #tpu.memory_space<vmem_shared>>
        tpu.enqueue_indirect_dma source(%arg13 : memref<80x64xf32, #tpu.memory_space<vmem>>) target(%dma_start3A_235 : memref<10016x64xf32, #tpu.memory_space<vmem_shared>>) offsets(%dma_start3A_232 : memref<80xi32, #tpu.memory_space<vmem>>) semaphore(%arg23 : memref<!tpu.dma_semaphore, #tpu.memory_space<semaphore_mem>>) {add = true}
      } else {
      }
      %mul3A_112 = arith.constant 5 : i32
      %mul3A_113 = arith.muli %scan3A_92, %mul3A_112 : i32
      %add3A_114 = arith.constant 1 : i32
      %add3A_115 = arith.addi %mul3A_113, %add3A_114 : i32
      %gt3A_116 = arith.constant 0 : i32
      %gt3A_117 = arith.cmpi sgt, %scan3A_92, %gt3A_116 : i32
      %convert_element_type3A_118 = arith.extui %gt3A_117 : i1 to i32
      %cond3A_119 = arith.constant 0 : i32
      %cond3A_120 = arith.cmpi ne, %convert_element_type3A_118, %cond3A_119 : i32
      scf.if %cond3A_120 {
        %dma_wait3A_221 = arith.constant 0 : i32
        %dma_wait3A_222 = arith.constant 0 : i32
        %dma_wait3A_223 = tpu.memref_slice %arg9[%dma_wait3A_221, %dma_wait3A_222] : memref<125x80xi32, #tpu.memory_space<vmem>> -> memref<1x80xi32, #tpu.memory_space<vmem>>
        %dma_wait3A_224 = tpu.memref_squeeze %dma_wait3A_223 : memref<1x80xi32, #tpu.memory_space<vmem>> -> memref<80xi32, #tpu.memory_space<vmem>>
        %dma_wait3A_225 = arith.constant 0 : i32
        %dma_wait3A_226 = arith.constant 0 : i32
        %dma_wait3A_227 = tpu.memref_slice %arg7[%dma_wait3A_225, %dma_wait3A_226] : memref<10016x64xf32, #tpu.memory_space<vmem_shared>> -> memref<10016x64xf32, #tpu.memory_space<vmem_shared>>
        tpu.wait_indirect_dma semaphore(%arg21 : memref<!tpu.dma_semaphore, #tpu.memory_space<semaphore_mem>>) src(%arg11 : memref<80x64xf32, #tpu.memory_space<vmem>>) dst(%dma_wait3A_227 : memref<10016x64xf32, #tpu.memory_space<vmem_shared>>)
      } else {
      }
      %dma_start3A_121 = arith.constant 0 : i32
      %dma_start3A_122 = tpu.memref_slice %arg8[%add3A_115, %dma_start3A_121] : memref<125x80xi32, #tpu.memory_space<vmem>> -> memref<1x80xi32, #tpu.memory_space<vmem>>
      %dma_start3A_123 = tpu.memref_squeeze %dma_start3A_122 : memref<1x80xi32, #tpu.memory_space<vmem>> -> memref<80xi32, #tpu.memory_space<vmem>>
      %dma_start3A_124 = arith.constant 0 : i32
      %dma_start3A_125 = arith.constant 0 : i32
      %dma_start3A_126 = tpu.memref_slice %arg2[%dma_start3A_124, %dma_start3A_125] : memref<10000x64xf32, #tpu.memory_space<hbm>> -> memref<10000x64xf32, #tpu.memory_space<hbm>>
      tpu.enqueue_indirect_dma source(%dma_start3A_126 : memref<10000x64xf32, #tpu.memory_space<hbm>>) target(%arg11 : memref<80x64xf32, #tpu.memory_space<vmem>>) offsets(%dma_start3A_123 : memref<80xi32, #tpu.memory_space<vmem>>) semaphore(%arg16 : memref<!tpu.dma_semaphore, #tpu.memory_space<semaphore_mem>>)
      %gt3A_127 = arith.constant 0 : i32
      %gt3A_128 = arith.cmpi sgt, %scan3A_92, %gt3A_127 : i32
      %convert_element_type3A_129 = arith.extui %gt3A_128 : i1 to i32
      %cond3A_130 = arith.constant 0 : i32
      %cond3A_131 = arith.cmpi ne, %convert_element_type3A_129, %cond3A_130 : i32
      scf.if %cond3A_131 {
        %dma_wait3A_221 = arith.constant 0 : i32
        %dma_wait3A_222 = arith.constant 0 : i32
        %dma_wait3A_223 = tpu.memref_slice %arg8[%dma_wait3A_221, %dma_wait3A_222] : memref<125x80xi32, #tpu.memory_space<vmem>> -> memref<1x80xi32, #tpu.memory_space<vmem>>
        %dma_wait3A_224 = tpu.memref_squeeze %dma_wait3A_223 : memref<1x80xi32, #tpu.memory_space<vmem>> -> memref<80xi32, #tpu.memory_space<vmem>>
        %dma_wait3A_225 = arith.constant 0 : i32
        %dma_wait3A_226 = arith.constant 0 : i32
        %dma_wait3A_227 = tpu.memref_slice %arg2[%dma_wait3A_225, %dma_wait3A_226] : memref<10000x64xf32, #tpu.memory_space<hbm>> -> memref<10000x64xf32, #tpu.memory_space<hbm>>
        tpu.wait_indirect_dma semaphore(%arg19 : memref<!tpu.dma_semaphore, #tpu.memory_space<semaphore_mem>>) src(%dma_wait3A_227 : memref<10000x64xf32, #tpu.memory_space<hbm>>) dst(%arg14 : memref<80x64xf32, #tpu.memory_space<vmem>>)
        %sub3A_228 = arith.constant 2 : i32
        %sub3A_229 = arith.subi %add3A_115, %sub3A_228 : i32
        %dma_start3A_230 = arith.constant 0 : i32
        %dma_start3A_231 = tpu.memref_slice %arg9[%sub3A_229, %dma_start3A_230] : memref<125x80xi32, #tpu.memory_space<vmem>> -> memref<1x80xi32, #tpu.memory_space<vmem>>
        %dma_start3A_232 = tpu.memref_squeeze %dma_start3A_231 : memref<1x80xi32, #tpu.memory_space<vmem>> -> memref<80xi32, #tpu.memory_space<vmem>>
        %dma_start3A_233 = arith.constant 0 : i32
        %dma_start3A_234 = arith.constant 0 : i32
        %dma_start3A_235 = tpu.memref_slice %arg7[%dma_start3A_233, %dma_start3A_234] : memref<10016x64xf32, #tpu.memory_space<vmem_shared>> -> memref<10016x64xf32, #tpu.memory_space<vmem_shared>>
        tpu.enqueue_indirect_dma source(%arg14 : memref<80x64xf32, #tpu.memory_space<vmem>>) target(%dma_start3A_235 : memref<10016x64xf32, #tpu.memory_space<vmem_shared>>) offsets(%dma_start3A_232 : memref<80xi32, #tpu.memory_space<vmem>>) semaphore(%arg24 : memref<!tpu.dma_semaphore, #tpu.memory_space<semaphore_mem>>) {add = true}
      } else {
      }
      %mul3A_132 = arith.constant 5 : i32
      %mul3A_133 = arith.muli %scan3A_92, %mul3A_132 : i32
      %add3A_134 = arith.constant 2 : i32
      %add3A_135 = arith.addi %mul3A_133, %add3A_134 : i32
      %gt3A_136 = arith.constant 0 : i32
      %gt3A_137 = arith.cmpi sgt, %scan3A_92, %gt3A_136 : i32
      %convert_element_type3A_138 = arith.extui %gt3A_137 : i1 to i32
      %cond3A_139 = arith.constant 0 : i32
      %cond3A_140 = arith.cmpi ne, %convert_element_type3A_138, %cond3A_139 : i32
      scf.if %cond3A_140 {
        %dma_wait3A_221 = arith.constant 0 : i32
        %dma_wait3A_222 = arith.constant 0 : i32
        %dma_wait3A_223 = tpu.memref_slice %arg9[%dma_wait3A_221, %dma_wait3A_222] : memref<125x80xi32, #tpu.memory_space<vmem>> -> memref<1x80xi32, #tpu.memory_space<vmem>>
        %dma_wait3A_224 = tpu.memref_squeeze %dma_wait3A_223 : memref<1x80xi32, #tpu.memory_space<vmem>> -> memref<80xi32, #tpu.memory_space<vmem>>
        %dma_wait3A_225 = arith.constant 0 : i32
        %dma_wait3A_226 = arith.constant 0 : i32
        %dma_wait3A_227 = tpu.memref_slice %arg7[%dma_wait3A_225, %dma_wait3A_226] : memref<10016x64xf32, #tpu.memory_space<vmem_shared>> -> memref<10016x64xf32, #tpu.memory_space<vmem_shared>>
        tpu.wait_indirect_dma semaphore(%arg22 : memref<!tpu.dma_semaphore, #tpu.memory_space<semaphore_mem>>) src(%arg12 : memref<80x64xf32, #tpu.memory_space<vmem>>) dst(%dma_wait3A_227 : memref<10016x64xf32, #tpu.memory_space<vmem_shared>>)
      } else {
      }
      %dma_start3A_141 = arith.constant 0 : i32
      %dma_start3A_142 = tpu.memref_slice %arg8[%add3A_135, %dma_start3A_141] : memref<125x80xi32, #tpu.memory_space<vmem>> -> memref<1x80xi32, #tpu.memory_space<vmem>>
      %dma_start3A_143 = tpu.memref_squeeze %dma_start3A_142 : memref<1x80xi32, #tpu.memory_space<vmem>> -> memref<80xi32, #tpu.memory_space<vmem>>
      %dma_start3A_144 = arith.constant 0 : i32
      %dma_start3A_145 = arith.constant 0 : i32
      %dma_start3A_146 = tpu.memref_slice %arg2[%dma_start3A_144, %dma_start3A_145] : memref<10000x64xf32, #tpu.memory_space<hbm>> -> memref<10000x64xf32, #tpu.memory_space<hbm>>
      tpu.enqueue_indirect_dma source(%dma_start3A_146 : memref<10000x64xf32, #tpu.memory_space<hbm>>) target(%arg12 : memref<80x64xf32, #tpu.memory_space<vmem>>) offsets(%dma_start3A_143 : memref<80xi32, #tpu.memory_space<vmem>>) semaphore(%arg17 : memref<!tpu.dma_semaphore, #tpu.memory_space<semaphore_mem>>)
      %dma_wait3A_147 = arith.constant 0 : i32
      %dma_wait3A_148 = arith.constant 0 : i32
      %dma_wait3A_149 = tpu.memref_slice %arg8[%dma_wait3A_147, %dma_wait3A_148] : memref<125x80xi32, #tpu.memory_space<vmem>> -> memref<1x80xi32, #tpu.memory_space<vmem>>
      %dma_wait3A_150 = tpu.memref_squeeze %dma_wait3A_149 : memref<1x80xi32, #tpu.memory_space<vmem>> -> memref<80xi32, #tpu.memory_space<vmem>>
      %dma_wait3A_151 = arith.constant 0 : i32
      %dma_wait3A_152 = arith.constant 0 : i32
      %dma_wait3A_153 = tpu.memref_slice %arg2[%dma_wait3A_151, %dma_wait3A_152] : memref<10000x64xf32, #tpu.memory_space<hbm>> -> memref<10000x64xf32, #tpu.memory_space<hbm>>
      tpu.wait_indirect_dma semaphore(%arg15 : memref<!tpu.dma_semaphore, #tpu.memory_space<semaphore_mem>>) src(%dma_wait3A_153 : memref<10000x64xf32, #tpu.memory_space<hbm>>) dst(%arg10 : memref<80x64xf32, #tpu.memory_space<vmem>>)
      %sub3A = arith.constant 2 : i32
      %sub3A_154 = arith.subi %add3A_135, %sub3A : i32
      %dma_start3A_155 = arith.constant 0 : i32
      %dma_start3A_156 = tpu.memref_slice %arg9[%sub3A_154, %dma_start3A_155] : memref<125x80xi32, #tpu.memory_space<vmem>> -> memref<1x80xi32, #tpu.memory_space<vmem>>
      %dma_start3A_157 = tpu.memref_squeeze %dma_start3A_156 : memref<1x80xi32, #tpu.memory_space<vmem>> -> memref<80xi32, #tpu.memory_space<vmem>>
      %dma_start3A_158 = arith.constant 0 : i32
      %dma_start3A_159 = arith.constant 0 : i32
      %dma_start3A_160 = tpu.memref_slice %arg7[%dma_start3A_158, %dma_start3A_159] : memref<10016x64xf32, #tpu.memory_space<vmem_shared>> -> memref<10016x64xf32, #tpu.memory_space<vmem_shared>>
      tpu.enqueue_indirect_dma source(%arg10 : memref<80x64xf32, #tpu.memory_space<vmem>>) target(%dma_start3A_160 : memref<10016x64xf32, #tpu.memory_space<vmem_shared>>) offsets(%dma_start3A_157 : memref<80xi32, #tpu.memory_space<vmem>>) semaphore(%arg20 : memref<!tpu.dma_semaphore, #tpu.memory_space<semaphore_mem>>) {add = true}
      %mul3A_161 = arith.constant 5 : i32
      %mul3A_162 = arith.muli %scan3A_92, %mul3A_161 : i32
      %add3A_163 = arith.constant 3 : i32
      %add3A_164 = arith.addi %mul3A_162, %add3A_163 : i32
      %gt3A_165 = arith.constant 0 : i32
      %gt3A_166 = arith.cmpi sgt, %scan3A_92, %gt3A_165 : i32
      %convert_element_type3A_167 = arith.extui %gt3A_166 : i1 to i32
      %cond3A_168 = arith.constant 0 : i32
      %cond3A_169 = arith.cmpi ne, %convert_element_type3A_167, %cond3A_168 : i32
      scf.if %cond3A_169 {
        %dma_wait3A_221 = arith.constant 0 : i32
        %dma_wait3A_222 = arith.constant 0 : i32
        %dma_wait3A_223 = tpu.memref_slice %arg9[%dma_wait3A_221, %dma_wait3A_222] : memref<125x80xi32, #tpu.memory_space<vmem>> -> memref<1x80xi32, #tpu.memory_space<vmem>>
        %dma_wait3A_224 = tpu.memref_squeeze %dma_wait3A_223 : memref<1x80xi32, #tpu.memory_space<vmem>> -> memref<80xi32, #tpu.memory_space<vmem>>
        %dma_wait3A_225 = arith.constant 0 : i32
        %dma_wait3A_226 = arith.constant 0 : i32
        %dma_wait3A_227 = tpu.memref_slice %arg7[%dma_wait3A_225, %dma_wait3A_226] : memref<10016x64xf32, #tpu.memory_space<vmem_shared>> -> memref<10016x64xf32, #tpu.memory_space<vmem_shared>>
        tpu.wait_indirect_dma semaphore(%arg23 : memref<!tpu.dma_semaphore, #tpu.memory_space<semaphore_mem>>) src(%arg13 : memref<80x64xf32, #tpu.memory_space<vmem>>) dst(%dma_wait3A_227 : memref<10016x64xf32, #tpu.memory_space<vmem_shared>>)
      } else {
      }
      %dma_start3A_170 = arith.constant 0 : i32
      %dma_start3A_171 = tpu.memref_slice %arg8[%add3A_164, %dma_start3A_170] : memref<125x80xi32, #tpu.memory_space<vmem>> -> memref<1x80xi32, #tpu.memory_space<vmem>>
      %dma_start3A_172 = tpu.memref_squeeze %dma_start3A_171 : memref<1x80xi32, #tpu.memory_space<vmem>> -> memref<80xi32, #tpu.memory_space<vmem>>
      %dma_start3A_173 = arith.constant 0 : i32
      %dma_start3A_174 = arith.constant 0 : i32
      %dma_start3A_175 = tpu.memref_slice %arg2[%dma_start3A_173, %dma_start3A_174] : memref<10000x64xf32, #tpu.memory_space<hbm>> -> memref<10000x64xf32, #tpu.memory_space<hbm>>
      tpu.enqueue_indirect_dma source(%dma_start3A_175 : memref<10000x64xf32, #tpu.memory_space<hbm>>) target(%arg13 : memref<80x64xf32, #tpu.memory_space<vmem>>) offsets(%dma_start3A_172 : memref<80xi32, #tpu.memory_space<vmem>>) semaphore(%arg18 : memref<!tpu.dma_semaphore, #tpu.memory_space<semaphore_mem>>)
      %dma_wait3A_176 = arith.constant 0 : i32
      %dma_wait3A_177 = arith.constant 0 : i32
      %dma_wait3A_178 = tpu.memref_slice %arg8[%dma_wait3A_176, %dma_wait3A_177] : memref<125x80xi32, #tpu.memory_space<vmem>> -> memref<1x80xi32, #tpu.memory_space<vmem>>
      %dma_wait3A_179 = tpu.memref_squeeze %dma_wait3A_178 : memref<1x80xi32, #tpu.memory_space<vmem>> -> memref<80xi32, #tpu.memory_space<vmem>>
      %dma_wait3A_180 = arith.constant 0 : i32
      %dma_wait3A_181 = arith.constant 0 : i32
      %dma_wait3A_182 = tpu.memref_slice %arg2[%dma_wait3A_180, %dma_wait3A_181] : memref<10000x64xf32, #tpu.memory_space<hbm>> -> memref<10000x64xf32, #tpu.memory_space<hbm>>
      tpu.wait_indirect_dma semaphore(%arg16 : memref<!tpu.dma_semaphore, #tpu.memory_space<semaphore_mem>>) src(%dma_wait3A_182 : memref<10000x64xf32, #tpu.memory_space<hbm>>) dst(%arg11 : memref<80x64xf32, #tpu.memory_space<vmem>>)
      %sub3A_183 = arith.constant 2 : i32
      %sub3A_184 = arith.subi %add3A_164, %sub3A_183 : i32
      %dma_start3A_185 = arith.constant 0 : i32
      %dma_start3A_186 = tpu.memref_slice %arg9[%sub3A_184, %dma_start3A_185] : memref<125x80xi32, #tpu.memory_space<vmem>> -> memref<1x80xi32, #tpu.memory_space<vmem>>
      %dma_start3A_187 = tpu.memref_squeeze %dma_start3A_186 : memref<1x80xi32, #tpu.memory_space<vmem>> -> memref<80xi32, #tpu.memory_space<vmem>>
      %dma_start3A_188 = arith.constant 0 : i32
      %dma_start3A_189 = arith.constant 0 : i32
      %dma_start3A_190 = tpu.memref_slice %arg7[%dma_start3A_188, %dma_start3A_189] : memref<10016x64xf32, #tpu.memory_space<vmem_shared>> -> memref<10016x64xf32, #tpu.memory_space<vmem_shared>>
      tpu.enqueue_indirect_dma source(%arg11 : memref<80x64xf32, #tpu.memory_space<vmem>>) target(%dma_start3A_190 : memref<10016x64xf32, #tpu.memory_space<vmem_shared>>) offsets(%dma_start3A_187 : memref<80xi32, #tpu.memory_space<vmem>>) semaphore(%arg21 : memref<!tpu.dma_semaphore, #tpu.memory_space<semaphore_mem>>) {add = true}
      %mul3A_191 = arith.constant 5 : i32
      %mul3A_192 = arith.muli %scan3A_92, %mul3A_191 : i32
      %add3A_193 = arith.constant 4 : i32
      %add3A_194 = arith.addi %mul3A_192, %add3A_193 : i32
      %gt3A_195 = arith.constant 0 : i32
      %gt3A_196 = arith.cmpi sgt, %scan3A_92, %gt3A_195 : i32
      %convert_element_type3A_197 = arith.extui %gt3A_196 : i1 to i32
      %cond3A_198 = arith.constant 0 : i32
      %cond3A_199 = arith.cmpi ne, %convert_element_type3A_197, %cond3A_198 : i32
      scf.if %cond3A_199 {
        %dma_wait3A_221 = arith.constant 0 : i32
        %dma_wait3A_222 = arith.constant 0 : i32
        %dma_wait3A_223 = tpu.memref_slice %arg9[%dma_wait3A_221, %dma_wait3A_222] : memref<125x80xi32, #tpu.memory_space<vmem>> -> memref<1x80xi32, #tpu.memory_space<vmem>>
        %dma_wait3A_224 = tpu.memref_squeeze %dma_wait3A_223 : memref<1x80xi32, #tpu.memory_space<vmem>> -> memref<80xi32, #tpu.memory_space<vmem>>
        %dma_wait3A_225 = arith.constant 0 : i32
        %dma_wait3A_226 = arith.constant 0 : i32
        %dma_wait3A_227 = tpu.memref_slice %arg7[%dma_wait3A_225, %dma_wait3A_226] : memref<10016x64xf32, #tpu.memory_space<vmem_shared>> -> memref<10016x64xf32, #tpu.memory_space<vmem_shared>>
        tpu.wait_indirect_dma semaphore(%arg24 : memref<!tpu.dma_semaphore, #tpu.memory_space<semaphore_mem>>) src(%arg14 : memref<80x64xf32, #tpu.memory_space<vmem>>) dst(%dma_wait3A_227 : memref<10016x64xf32, #tpu.memory_space<vmem_shared>>)
      } else {
      }
      %dma_start3A_200 = arith.constant 0 : i32
      %dma_start3A_201 = tpu.memref_slice %arg8[%add3A_194, %dma_start3A_200] : memref<125x80xi32, #tpu.memory_space<vmem>> -> memref<1x80xi32, #tpu.memory_space<vmem>>
      %dma_start3A_202 = tpu.memref_squeeze %dma_start3A_201 : memref<1x80xi32, #tpu.memory_space<vmem>> -> memref<80xi32, #tpu.memory_space<vmem>>
      %dma_start3A_203 = arith.constant 0 : i32
      %dma_start3A_204 = arith.constant 0 : i32
      %dma_start3A_205 = tpu.memref_slice %arg2[%dma_start3A_203, %dma_start3A_204] : memref<10000x64xf32, #tpu.memory_space<hbm>> -> memref<10000x64xf32, #tpu.memory_space<hbm>>
      tpu.enqueue_indirect_dma source(%dma_start3A_205 : memref<10000x64xf32, #tpu.memory_space<hbm>>) target(%arg14 : memref<80x64xf32, #tpu.memory_space<vmem>>) offsets(%dma_start3A_202 : memref<80xi32, #tpu.memory_space<vmem>>) semaphore(%arg19 : memref<!tpu.dma_semaphore, #tpu.memory_space<semaphore_mem>>)
      %dma_wait3A_206 = arith.constant 0 : i32
      %dma_wait3A_207 = arith.constant 0 : i32
      %dma_wait3A_208 = tpu.memref_slice %arg8[%dma_wait3A_206, %dma_wait3A_207] : memref<125x80xi32, #tpu.memory_space<vmem>> -> memref<1x80xi32, #tpu.memory_space<vmem>>
      %dma_wait3A_209 = tpu.memref_squeeze %dma_wait3A_208 : memref<1x80xi32, #tpu.memory_space<vmem>> -> memref<80xi32, #tpu.memory_space<vmem>>
      %dma_wait3A_210 = arith.constant 0 : i32
      %dma_wait3A_211 = arith.constant 0 : i32
      %dma_wait3A_212 = tpu.memref_slice %arg2[%dma_wait3A_210, %dma_wait3A_211] : memref<10000x64xf32, #tpu.memory_space<hbm>> -> memref<10000x64xf32, #tpu.memory_space<hbm>>
      tpu.wait_indirect_dma semaphore(%arg17 : memref<!tpu.dma_semaphore, #tpu.memory_space<semaphore_mem>>) src(%dma_wait3A_212 : memref<10000x64xf32, #tpu.memory_space<hbm>>) dst(%arg12 : memref<80x64xf32, #tpu.memory_space<vmem>>)
      %sub3A_213 = arith.constant 2 : i32
      %sub3A_214 = arith.subi %add3A_194, %sub3A_213 : i32
      %dma_start3A_215 = arith.constant 0 : i32
      %dma_start3A_216 = tpu.memref_slice %arg9[%sub3A_214, %dma_start3A_215] : memref<125x80xi32, #tpu.memory_space<vmem>> -> memref<1x80xi32, #tpu.memory_space<vmem>>
      %dma_start3A_217 = tpu.memref_squeeze %dma_start3A_216 : memref<1x80xi32, #tpu.memory_space<vmem>> -> memref<80xi32, #tpu.memory_space<vmem>>
      %dma_start3A_218 = arith.constant 0 : i32
      %dma_start3A_219 = arith.constant 0 : i32
      %dma_start3A_220 = tpu.memref_slice %arg7[%dma_start3A_218, %dma_start3A_219] : memref<10016x64xf32, #tpu.memory_space<vmem_shared>> -> memref<10016x64xf32, #tpu.memory_space<vmem_shared>>
      tpu.enqueue_indirect_dma source(%arg12 : memref<80x64xf32, #tpu.memory_space<vmem>>) target(%dma_start3A_220 : memref<10016x64xf32, #tpu.memory_space<vmem_shared>>) offsets(%dma_start3A_217 : memref<80xi32, #tpu.memory_space<vmem>>) semaphore(%arg22 : memref<!tpu.dma_semaphore, #tpu.memory_space<semaphore_mem>>) {add = true}
    }
    %scan3A_23 = arith.constant 25 : i32
    %dma_wait3A = arith.constant 0 : i32
    %dma_wait3A_24 = arith.constant 0 : i32
    %dma_wait3A_25 = tpu.memref_slice %arg8[%dma_wait3A, %dma_wait3A_24] : memref<125x80xi32, #tpu.memory_space<vmem>> -> memref<1x80xi32, #tpu.memory_space<vmem>>
    %dma_wait3A_26 = tpu.memref_squeeze %dma_wait3A_25 : memref<1x80xi32, #tpu.memory_space<vmem>> -> memref<80xi32, #tpu.memory_space<vmem>>
    %dma_wait3A_27 = arith.constant 0 : i32
    %dma_wait3A_28 = arith.constant 0 : i32
    %dma_wait3A_29 = tpu.memref_slice %arg2[%dma_wait3A_27, %dma_wait3A_28] : memref<10000x64xf32, #tpu.memory_space<hbm>> -> memref<10000x64xf32, #tpu.memory_space<hbm>>
    tpu.wait_indirect_dma semaphore(%arg18 : memref<!tpu.dma_semaphore, #tpu.memory_space<semaphore_mem>>) src(%dma_wait3A_29 : memref<10000x64xf32, #tpu.memory_space<hbm>>) dst(%arg13 : memref<80x64xf32, #tpu.memory_space<vmem>>)
    %dma_start3A = arith.constant 123 : i32
    %dma_start3A_30 = arith.constant 0 : i32
    %dma_start3A_31 = tpu.memref_slice %arg9[%dma_start3A, %dma_start3A_30] : memref<125x80xi32, #tpu.memory_space<vmem>> -> memref<1x80xi32, #tpu.memory_space<vmem>>
    %dma_start3A_32 = tpu.memref_squeeze %dma_start3A_31 : memref<1x80xi32, #tpu.memory_space<vmem>> -> memref<80xi32, #tpu.memory_space<vmem>>
    %dma_start3A_33 = arith.constant 0 : i32
    %dma_start3A_34 = arith.constant 0 : i32
    %dma_start3A_35 = tpu.memref_slice %arg7[%dma_start3A_33, %dma_start3A_34] : memref<10016x64xf32, #tpu.memory_space<vmem_shared>> -> memref<10016x64xf32, #tpu.memory_space<vmem_shared>>
    tpu.enqueue_indirect_dma source(%arg13 : memref<80x64xf32, #tpu.memory_space<vmem>>) target(%dma_start3A_35 : memref<10016x64xf32, #tpu.memory_space<vmem_shared>>) offsets(%dma_start3A_32 : memref<80xi32, #tpu.memory_space<vmem>>) semaphore(%arg23 : memref<!tpu.dma_semaphore, #tpu.memory_space<semaphore_mem>>) {add = true}
    %dma_wait3A_36 = arith.constant 0 : i32
    %dma_wait3A_37 = arith.constant 0 : i32
    %dma_wait3A_38 = tpu.memref_slice %arg8[%dma_wait3A_36, %dma_wait3A_37] : memref<125x80xi32, #tpu.memory_space<vmem>> -> memref<1x80xi32, #tpu.memory_space<vmem>>
    %dma_wait3A_39 = tpu.memref_squeeze %dma_wait3A_38 : memref<1x80xi32, #tpu.memory_space<vmem>> -> memref<80xi32, #tpu.memory_space<vmem>>
    %dma_wait3A_40 = arith.constant 0 : i32
    %dma_wait3A_41 = arith.constant 0 : i32
    %dma_wait3A_42 = tpu.memref_slice %arg2[%dma_wait3A_40, %dma_wait3A_41] : memref<10000x64xf32, #tpu.memory_space<hbm>> -> memref<10000x64xf32, #tpu.memory_space<hbm>>
    tpu.wait_indirect_dma semaphore(%arg19 : memref<!tpu.dma_semaphore, #tpu.memory_space<semaphore_mem>>) src(%dma_wait3A_42 : memref<10000x64xf32, #tpu.memory_space<hbm>>) dst(%arg14 : memref<80x64xf32, #tpu.memory_space<vmem>>)
    %dma_start3A_43 = arith.constant 124 : i32
    %dma_start3A_44 = arith.constant 0 : i32
    %dma_start3A_45 = tpu.memref_slice %arg9[%dma_start3A_43, %dma_start3A_44] : memref<125x80xi32, #tpu.memory_space<vmem>> -> memref<1x80xi32, #tpu.memory_space<vmem>>
    %dma_start3A_46 = tpu.memref_squeeze %dma_start3A_45 : memref<1x80xi32, #tpu.memory_space<vmem>> -> memref<80xi32, #tpu.memory_space<vmem>>
    %dma_start3A_47 = arith.constant 0 : i32
    %dma_start3A_48 = arith.constant 0 : i32
    %dma_start3A_49 = tpu.memref_slice %arg7[%dma_start3A_47, %dma_start3A_48] : memref<10016x64xf32, #tpu.memory_space<vmem_shared>> -> memref<10016x64xf32, #tpu.memory_space<vmem_shared>>
    tpu.enqueue_indirect_dma source(%arg14 : memref<80x64xf32, #tpu.memory_space<vmem>>) target(%dma_start3A_49 : memref<10016x64xf32, #tpu.memory_space<vmem_shared>>) offsets(%dma_start3A_46 : memref<80xi32, #tpu.memory_space<vmem>>) semaphore(%arg24 : memref<!tpu.dma_semaphore, #tpu.memory_space<semaphore_mem>>) {add = true}
    %dma_wait3A_50 = arith.constant 0 : i32
    %dma_wait3A_51 = arith.constant 0 : i32
    %dma_wait3A_52 = tpu.memref_slice %arg9[%dma_wait3A_50, %dma_wait3A_51] : memref<125x80xi32, #tpu.memory_space<vmem>> -> memref<1x80xi32, #tpu.memory_space<vmem>>
    %dma_wait3A_53 = tpu.memref_squeeze %dma_wait3A_52 : memref<1x80xi32, #tpu.memory_space<vmem>> -> memref<80xi32, #tpu.memory_space<vmem>>
    %dma_wait3A_54 = arith.constant 0 : i32
    %dma_wait3A_55 = arith.constant 0 : i32
    %dma_wait3A_56 = tpu.memref_slice %arg7[%dma_wait3A_54, %dma_wait3A_55] : memref<10016x64xf32, #tpu.memory_space<vmem_shared>> -> memref<10016x64xf32, #tpu.memory_space<vmem_shared>>
    tpu.wait_indirect_dma semaphore(%arg20 : memref<!tpu.dma_semaphore, #tpu.memory_space<semaphore_mem>>) src(%arg10 : memref<80x64xf32, #tpu.memory_space<vmem>>) dst(%dma_wait3A_56 : memref<10016x64xf32, #tpu.memory_space<vmem_shared>>)
    %dma_wait3A_57 = arith.constant 0 : i32
    %dma_wait3A_58 = arith.constant 0 : i32
    %dma_wait3A_59 = tpu.memref_slice %arg9[%dma_wait3A_57, %dma_wait3A_58] : memref<125x80xi32, #tpu.memory_space<vmem>> -> memref<1x80xi32, #tpu.memory_space<vmem>>
    %dma_wait3A_60 = tpu.memref_squeeze %dma_wait3A_59 : memref<1x80xi32, #tpu.memory_space<vmem>> -> memref<80xi32, #tpu.memory_space<vmem>>
    %dma_wait3A_61 = arith.constant 0 : i32
    %dma_wait3A_62 = arith.constant 0 : i32
    %dma_wait3A_63 = tpu.memref_slice %arg7[%dma_wait3A_61, %dma_wait3A_62] : memref<10016x64xf32, #tpu.memory_space<vmem_shared>> -> memref<10016x64xf32, #tpu.memory_space<vmem_shared>>
    tpu.wait_indirect_dma semaphore(%arg21 : memref<!tpu.dma_semaphore, #tpu.memory_space<semaphore_mem>>) src(%arg11 : memref<80x64xf32, #tpu.memory_space<vmem>>) dst(%dma_wait3A_63 : memref<10016x64xf32, #tpu.memory_space<vmem_shared>>)
    %dma_wait3A_64 = arith.constant 0 : i32
    %dma_wait3A_65 = arith.constant 0 : i32
    %dma_wait3A_66 = tpu.memref_slice %arg9[%dma_wait3A_64, %dma_wait3A_65] : memref<125x80xi32, #tpu.memory_space<vmem>> -> memref<1x80xi32, #tpu.memory_space<vmem>>
    %dma_wait3A_67 = tpu.memref_squeeze %dma_wait3A_66 : memref<1x80xi32, #tpu.memory_space<vmem>> -> memref<80xi32, #tpu.memory_space<vmem>>
    %dma_wait3A_68 = arith.constant 0 : i32
    %dma_wait3A_69 = arith.constant 0 : i32
    %dma_wait3A_70 = tpu.memref_slice %arg7[%dma_wait3A_68, %dma_wait3A_69] : memref<10016x64xf32, #tpu.memory_space<vmem_shared>> -> memref<10016x64xf32, #tpu.memory_space<vmem_shared>>
    tpu.wait_indirect_dma semaphore(%arg22 : memref<!tpu.dma_semaphore, #tpu.memory_space<semaphore_mem>>) src(%arg12 : memref<80x64xf32, #tpu.memory_space<vmem>>) dst(%dma_wait3A_70 : memref<10016x64xf32, #tpu.memory_space<vmem_shared>>)
    %dma_wait3A_71 = arith.constant 0 : i32
    %dma_wait3A_72 = arith.constant 0 : i32
    %dma_wait3A_73 = tpu.memref_slice %arg9[%dma_wait3A_71, %dma_wait3A_72] : memref<125x80xi32, #tpu.memory_space<vmem>> -> memref<1x80xi32, #tpu.memory_space<vmem>>
    %dma_wait3A_74 = tpu.memref_squeeze %dma_wait3A_73 : memref<1x80xi32, #tpu.memory_space<vmem>> -> memref<80xi32, #tpu.memory_space<vmem>>
    %dma_wait3A_75 = arith.constant 0 : i32
    %dma_wait3A_76 = arith.constant 0 : i32
    %dma_wait3A_77 = tpu.memref_slice %arg7[%dma_wait3A_75, %dma_wait3A_76] : memref<10016x64xf32, #tpu.memory_space<vmem_shared>> -> memref<10016x64xf32, #tpu.memory_space<vmem_shared>>
    tpu.wait_indirect_dma semaphore(%arg23 : memref<!tpu.dma_semaphore, #tpu.memory_space<semaphore_mem>>) src(%arg13 : memref<80x64xf32, #tpu.memory_space<vmem>>) dst(%dma_wait3A_77 : memref<10016x64xf32, #tpu.memory_space<vmem_shared>>)
    %dma_wait3A_78 = arith.constant 0 : i32
    %dma_wait3A_79 = arith.constant 0 : i32
    %dma_wait3A_80 = tpu.memref_slice %arg9[%dma_wait3A_78, %dma_wait3A_79] : memref<125x80xi32, #tpu.memory_space<vmem>> -> memref<1x80xi32, #tpu.memory_space<vmem>>
    %dma_wait3A_81 = tpu.memref_squeeze %dma_wait3A_80 : memref<1x80xi32, #tpu.memory_space<vmem>> -> memref<80xi32, #tpu.memory_space<vmem>>
    %dma_wait3A_82 = arith.constant 0 : i32
    %dma_wait3A_83 = arith.constant 0 : i32
    %dma_wait3A_84 = tpu.memref_slice %arg7[%dma_wait3A_82, %dma_wait3A_83] : memref<10016x64xf32, #tpu.memory_space<vmem_shared>> -> memref<10016x64xf32, #tpu.memory_space<vmem_shared>>
    tpu.wait_indirect_dma semaphore(%arg24 : memref<!tpu.dma_semaphore, #tpu.memory_space<semaphore_mem>>) src(%arg14 : memref<80x64xf32, #tpu.memory_space<vmem>>) dst(%dma_wait3A_84 : memref<10016x64xf32, #tpu.memory_space<vmem_shared>>)
    %barrier3A_85 = arith.constant 0 : index
    tpu.barrier barrier_id(%barrier3A_85)
    %lt3A = arith.constant 15 : i32
    %lt3A_86 = arith.cmpi slt, %arg1, %lt3A : i32
    %convert_element_type3A = arith.extui %lt3A_86 : i1 to i32
    %cond3A = arith.constant 0 : i32
    %cond3A_87 = arith.cmpi ne, %convert_element_type3A, %cond3A : i32
    scf.if %cond3A_87 {
      %mul3A_92 = arith.constant 10000 : i32
      %mul3A_93 = arith.muli %arg0, %mul3A_92 : i32
      %add3A_94 = arith.addi %mul3A_93, %mul3A_2 : i32
      "tpu.region"() ({
        %run_scoped3A = tpu.sem_alloc : memref<!tpu.dma_semaphore, #tpu.memory_space<semaphore_mem>>
        %dma_start3A_95 = arith.constant 0 : i32
        %dma_start3A_96 = tpu.memref_slice %arg6[%add3A_94, %dma_start3A_95] : memref<20000x64xf32, #tpu.memory_space<hbm>> -> memref<626x64xf32, #tpu.memory_space<hbm>>
        %dma_start3A_97 = arith.constant 0 : i32
        %dma_start3A_98 = tpu.memref_slice %arg7[%mul3A_2, %dma_start3A_97] : memref<10016x64xf32, #tpu.memory_space<vmem_shared>> -> memref<626x64xf32, #tpu.memory_space<vmem_shared>>
        tpu.enqueue_dma source(%dma_start3A_98 : memref<626x64xf32, #tpu.memory_space<vmem_shared>>) target(%dma_start3A_96 : memref<626x64xf32, #tpu.memory_space<hbm>>) target_semaphore(%run_scoped3A : memref<!tpu.dma_semaphore, #tpu.memory_space<semaphore_mem>>)
        %dma_wait3A_99 = arith.constant 0 : i32
        %dma_wait3A_100 = tpu.memref_slice %arg6[%add3A_94, %dma_wait3A_99] : memref<20000x64xf32, #tpu.memory_space<hbm>> -> memref<626x64xf32, #tpu.memory_space<hbm>>
        %dma_wait3A_101 = arith.constant 0 : i32
        %dma_wait3A_102 = tpu.memref_slice %arg7[%mul3A_2, %dma_wait3A_101] : memref<10016x64xf32, #tpu.memory_space<vmem_shared>> -> memref<626x64xf32, #tpu.memory_space<vmem_shared>>
        tpu.wait_dma2 semaphore(%run_scoped3A : memref<!tpu.dma_semaphore, #tpu.memory_space<semaphore_mem>>) src(%dma_wait3A_102 : memref<626x64xf32, #tpu.memory_space<vmem_shared>>) dst(%dma_wait3A_100 : memref<626x64xf32, #tpu.memory_space<hbm>>)
        tpu.yield
      }) : () -> ()
    } else {
    }
    %eq3A = arith.constant 15 : i32
    %eq3A_88 = arith.cmpi eq, %arg1, %eq3A : i32
    %convert_element_type3A_89 = arith.extui %eq3A_88 : i1 to i32
    %cond3A_90 = arith.constant 0 : i32
    %cond3A_91 = arith.cmpi ne, %convert_element_type3A_89, %cond3A_90 : i32
    scf.if %cond3A_91 {
      %mul3A_92 = arith.constant 10000 : i32
      %mul3A_93 = arith.muli %arg0, %mul3A_92 : i32
      %add3A_94 = arith.addi %mul3A_93, %mul3A_2 : i32
      "tpu.region"() ({
        %run_scoped3A = tpu.sem_alloc : memref<!tpu.dma_semaphore, #tpu.memory_space<semaphore_mem>>
        %dma_start3A_95 = arith.constant 0 : i32
        %dma_start3A_96 = tpu.memref_slice %arg6[%add3A_94, %dma_start3A_95] : memref<20000x64xf32, #tpu.memory_space<hbm>> -> memref<610x64xf32, #tpu.memory_space<hbm>>
        %dma_start3A_97 = arith.constant 0 : i32
        %dma_start3A_98 = tpu.memref_slice %arg7[%mul3A_2, %dma_start3A_97] : memref<10016x64xf32, #tpu.memory_space<vmem_shared>> -> memref<610x64xf32, #tpu.memory_space<vmem_shared>>
        tpu.enqueue_dma source(%dma_start3A_98 : memref<610x64xf32, #tpu.memory_space<vmem_shared>>) target(%dma_start3A_96 : memref<610x64xf32, #tpu.memory_space<hbm>>) target_semaphore(%run_scoped3A : memref<!tpu.dma_semaphore, #tpu.memory_space<semaphore_mem>>)
        %dma_wait3A_99 = arith.constant 0 : i32
        %dma_wait3A_100 = tpu.memref_slice %arg6[%add3A_94, %dma_wait3A_99] : memref<20000x64xf32, #tpu.memory_space<hbm>> -> memref<610x64xf32, #tpu.memory_space<hbm>>
        %dma_wait3A_101 = arith.constant 0 : i32
        %dma_wait3A_102 = tpu.memref_slice %arg7[%mul3A_2, %dma_wait3A_101] : memref<10016x64xf32, #tpu.memory_space<vmem_shared>> -> memref<610x64xf32, #tpu.memory_space<vmem_shared>>
        tpu.wait_dma2 semaphore(%run_scoped3A : memref<!tpu.dma_semaphore, #tpu.memory_space<semaphore_mem>>) src(%dma_wait3A_102 : memref<610x64xf32, #tpu.memory_space<vmem_shared>>) dst(%dma_wait3A_100 : memref<610x64xf32, #tpu.memory_space<hbm>>)
        tpu.yield
      }) : () -> ()
    } else {
    }
    return
  }
}

module attributes {stable_mosaic.version = 14 : i64} {
  func.func @_tc_pre_body(%arg0: i32, %arg1: memref<1000x128xf32, #tpu.memory_space<vmem>>, %arg2: memref<64x128xf32, #tpu.memory_space<vmem>>, %arg3: memref<1x64xf32, #tpu.memory_space<vmem>>, %arg4: memref<1000x64xf32, #tpu.memory_space<vmem>>, %arg5: memref<1000x128xf32, #tpu.memory_space<vmem>>, %arg6: memref<1000x64xf32, #tpu.memory_space<vmem>>) attributes {dimension_semantics = [#tpu.dimension_semantics<arbitrary>], iteration_bounds = array<i64: 10>, scalar_prefetch = 0 : i64, scratch_operands = 0 : i64, tpu.core_type = #tpu.core_type<tc>, window_params = [{transform_indices = @transform_0, window_bounds = array<i64: 1000, 128>}, {pipeline_mode = #tpu.pipeline_mode<synchronous>, transform_indices = @transform_1, window_bounds = array<i64: 64, 128>}, {pipeline_mode = #tpu.pipeline_mode<synchronous>, transform_indices = @transform_2, window_bounds = array<i64: 1, 64>}, {transform_indices = @transform_3, window_bounds = array<i64: 1000, 64>}, {transform_indices = @transform_4, window_bounds = array<i64: 1000, 128>}, {transform_indices = @transform_5, window_bounds = array<i64: 1000, 64>}]} {
    %get3A = arith.constant 0 : index
    %get3A_0 = arith.constant 0 : index
    %get3A_1 = vector.load %arg1[%get3A, %get3A_0] : memref<1000x128xf32, #tpu.memory_space<vmem>>, vector<1000x128xf32>
    %mul3A = arith.mulf %get3A_1, %get3A_1 : vector<1000x128xf32>
    %reduce_sum3A = arith.constant dense<0.000000e+00> : vector<1000xf32>
    %reduce_sum3A_2 = vector.multi_reduction <add>, %mul3A, %reduce_sum3A [1] : vector<1000x128xf32> to vector<1000xf32>
    %broadcast_in_dim3A = vector.shape_cast %reduce_sum3A_2 : vector<1000xf32> to vector<1000x1xf32>
    %sqrt3A = math.sqrt %broadcast_in_dim3A : vector<1000x1xf32>
    %max3A = arith.constant 9.99999996E-13 : f32
    %max3A_3 = vector.broadcast %max3A : f32 to vector<1000x1xf32>
    %max3A_4 = arith.maximumf %sqrt3A, %max3A_3 : vector<1000x1xf32>
    %div3A = vector.broadcast %max3A_4 : vector<1000x1xf32> to vector<1000x128xf32>
    %div3A_5 = arith.divf %get3A_1, %div3A : vector<1000x128xf32>
    %swap3A = arith.constant 0 : index
    %swap3A_6 = arith.constant 0 : index
    %swap3A_7 = vector.load %arg5[%swap3A, %swap3A_6] : memref<1000x128xf32, #tpu.memory_space<vmem>>, vector<1000x128xf32>
    tpu.vector_store %arg5[%swap3A, %swap3A_6], %div3A_5 {strides = array<i32>} : memref<1000x128xf32, #tpu.memory_space<vmem>>, vector<1000x128xf32>,
    %get3A_8 = arith.constant 0 : index
    %get3A_9 = arith.constant 0 : index
    %get3A_10 = vector.load %arg2[%get3A_8, %get3A_9] : memref<64x128xf32, #tpu.memory_space<vmem>>, vector<64x128xf32>
    %dot_general3A = arith.constant dense<0.000000e+00> : vector<1000x64xf32>
    %dot_general3A_11 = tpu.matmul %div3A_5, %get3A_10, %dot_general3A {dimension_numbers = #tpu.dot_dimension_numbers<[1], [1], [0], [0], [0, 0, 1, 0], [], []>, transpose_lhs_hint = false} : vector<1000x128xf32>, vector<64x128xf32>, vector<1000x64xf32> -> vector<1000x64xf32>
    %get3A_12 = arith.constant 0 : index
    %get3A_13 = arith.constant 0 : index
    %get3A_14 = vector.load %arg3[%get3A_12, %get3A_13] : memref<1x64xf32, #tpu.memory_space<vmem>>, vector<1x64xf32>
    %add3A = vector.broadcast %get3A_14 : vector<1x64xf32> to vector<1000x64xf32>
    %add3A_15 = arith.addf %dot_general3A_11, %add3A : vector<1000x64xf32>
    %ge3A = arith.constant 0.000000e+00 : f32
    %ge3A_16 = vector.broadcast %ge3A : f32 to vector<1000x64xf32>
    %ge3A_17 = arith.cmpf oge, %add3A_15, %ge3A_16 : vector<1000x64xf32>
    %mul3A_18 = arith.constant 0.00999999977 : f32
    %mul3A_19 = vector.broadcast %mul3A_18 : f32 to vector<1000x64xf32>
    %mul3A_20 = arith.mulf %add3A_15, %mul3A_19 : vector<1000x64xf32>
    %select_n3A = arith.select %ge3A_17, %add3A_15, %mul3A_20 : vector<1000x64xi1>, vector<1000x64xf32>
    %get3A_21 = arith.constant 0 : index
    %get3A_22 = arith.constant 0 : index
    %get3A_23 = vector.load %arg4[%get3A_21, %get3A_22] : memref<1000x64xf32, #tpu.memory_space<vmem>>, vector<1000x64xf32>
    %add3A_24 = arith.addf %select_n3A, %get3A_23 : vector<1000x64xf32>
    %swap3A_25 = arith.constant 0 : index
    %swap3A_26 = arith.constant 0 : index
    %swap3A_27 = vector.load %arg6[%swap3A_25, %swap3A_26] : memref<1000x64xf32, #tpu.memory_space<vmem>>, vector<1000x64xf32>
    tpu.vector_store %arg6[%swap3A_25, %swap3A_26], %add3A_24 {strides = array<i32>} : memref<1000x64xf32, #tpu.memory_space<vmem>>, vector<1000x64xf32>,
    return
  }
  func.func @transform_0(%arg0: i32) -> (i32, i32) {
    %c0_i32 = arith.constant 0 : i32
    %c0_i32_0 = arith.constant 0 : i32
    return %arg0, %c0_i32 : i32, i32
  }
  func.func @transform_1(%arg0: i32) -> (i32, i32) {
    %c0_i32 = arith.constant 0 : i32
    %c0_i32_0 = arith.constant 0 : i32
    %c0_i32_1 = arith.constant 0 : i32
    return %c0_i32, %c0_i32_0 : i32, i32
  }
  func.func @transform_2(%arg0: i32) -> (i32, i32) {
    %c0_i32 = arith.constant 0 : i32
    %c0_i32_0 = arith.constant 0 : i32
    %c0_i32_1 = arith.constant 0 : i32
    return %c0_i32, %c0_i32_0 : i32, i32
  }
  func.func @transform_3(%arg0: i32) -> (i32, i32) {
    %c0_i32 = arith.constant 0 : i32
    %c0_i32_0 = arith.constant 0 : i32
    return %arg0, %c0_i32 : i32, i32
  }
  func.func @transform_4(%arg0: i32) -> (i32, i32) {
    %c0_i32 = arith.constant 0 : i32
    %c0_i32_0 = arith.constant 0 : i32
    return %arg0, %c0_i32 : i32, i32
  }
  func.func @transform_5(%arg0: i32) -> (i32, i32) {
    %c0_i32 = arith.constant 0 : i32
    %c0_i32_0 = arith.constant 0 : i32
    return %arg0, %c0_i32 : i32, i32
  }
}

module attributes {stable_mosaic.version = 14 : i64} {
  func.func @_tc_mid_body(%arg0: i32, %arg1: memref<1000x128xf32, #tpu.memory_space<vmem>>, %arg2: memref<1000x128xf32, #tpu.memory_space<vmem>>, %arg3: memref<128x128xf32, #tpu.memory_space<vmem>>, %arg4: memref<64x128xf32, #tpu.memory_space<vmem>>, %arg5: memref<1x64xf32, #tpu.memory_space<vmem>>, %arg6: memref<1000x64xf32, #tpu.memory_space<vmem>>, %arg7: memref<64x64xf32, #tpu.memory_space<vmem>>, %arg8: memref<1x64xf32, #tpu.memory_space<vmem>>, %arg9: memref<1000x64xf32, #tpu.memory_space<vmem>>, %arg10: memref<1000x64xf32, #tpu.memory_space<vmem>>, %arg11: memref<1000x64xf32, #tpu.memory_space<vmem>>) attributes {dimension_semantics = [#tpu.dimension_semantics<arbitrary>], iteration_bounds = array<i64: 10>, scalar_prefetch = 0 : i64, scratch_operands = 0 : i64, tpu.core_type = #tpu.core_type<tc>, window_params = [{transform_indices = @transform_0, window_bounds = array<i64: 1000, 128>}, {transform_indices = @transform_1, window_bounds = array<i64: 1000, 128>}, {pipeline_mode = #tpu.pipeline_mode<synchronous>, transform_indices = @transform_2, window_bounds = array<i64: 128, 128>}, {pipeline_mode = #tpu.pipeline_mode<synchronous>, transform_indices = @transform_3, window_bounds = array<i64: 64, 128>}, {pipeline_mode = #tpu.pipeline_mode<synchronous>, transform_indices = @transform_4, window_bounds = array<i64: 1, 64>}, {transform_indices = @transform_5, window_bounds = array<i64: 1000, 64>}, {pipeline_mode = #tpu.pipeline_mode<synchronous>, transform_indices = @transform_6, window_bounds = array<i64: 64, 64>}, {pipeline_mode = #tpu.pipeline_mode<synchronous>, transform_indices = @transform_7, window_bounds = array<i64: 1, 64>}, {transform_indices = @transform_8, window_bounds = array<i64: 1000, 64>}, {transform_indices = @transform_9, window_bounds = array<i64: 1000, 64>}, {transform_indices = @transform_10, window_bounds = array<i64: 1000, 64>}]} {
    %get3A = arith.constant 0 : index
    %get3A_0 = arith.constant 0 : index
    %get3A_1 = vector.load %arg1[%get3A, %get3A_0] : memref<1000x128xf32, #tpu.memory_space<vmem>>, vector<1000x128xf32>
    %get3A_2 = arith.constant 0 : index
    %get3A_3 = arith.constant 0 : index
    %get3A_4 = vector.load %arg2[%get3A_2, %get3A_3] : memref<1000x128xf32, #tpu.memory_space<vmem>>, vector<1000x128xf32>
    %add3A = arith.addf %get3A_1, %get3A_4 : vector<1000x128xf32>
    %get3A_5 = arith.constant 0 : index
    %get3A_6 = arith.constant 0 : index
    %get3A_7 = vector.load %arg3[%get3A_5, %get3A_6] : memref<128x128xf32, #tpu.memory_space<vmem>>, vector<128x128xf32>
    %dot_general3A = arith.constant dense<0.000000e+00> : vector<1000x128xf32>
    %dot_general3A_8 = tpu.matmul %add3A, %get3A_7, %dot_general3A {dimension_numbers = #tpu.dot_dimension_numbers<[1], [0], [0], [1], [0, 0, 1, 1], [], []>, transpose_lhs_hint = false} : vector<1000x128xf32>, vector<128x128xf32>, vector<1000x128xf32> -> vector<1000x128xf32>
    %ge3A = arith.constant 0.000000e+00 : f32
    %ge3A_9 = vector.broadcast %ge3A : f32 to vector<1000x128xf32>
    %ge3A_10 = arith.cmpf oge, %dot_general3A_8, %ge3A_9 : vector<1000x128xf32>
    %mul3A = arith.constant 0.00999999977 : f32
    %mul3A_11 = vector.broadcast %mul3A : f32 to vector<1000x128xf32>
    %mul3A_12 = arith.mulf %dot_general3A_8, %mul3A_11 : vector<1000x128xf32>
    %select_n3A = arith.select %ge3A_10, %dot_general3A_8, %mul3A_12 : vector<1000x128xi1>, vector<1000x128xf32>
    %get3A_13 = arith.constant 0 : index
    %get3A_14 = arith.constant 0 : index
    %get3A_15 = vector.load %arg4[%get3A_13, %get3A_14] : memref<64x128xf32, #tpu.memory_space<vmem>>, vector<64x128xf32>
    %dot_general3A_16 = arith.constant dense<0.000000e+00> : vector<1000x64xf32>
    %dot_general3A_17 = tpu.matmul %select_n3A, %get3A_15, %dot_general3A_16 {dimension_numbers = #tpu.dot_dimension_numbers<[1], [1], [0], [0], [0, 0, 1, 0], [], []>, transpose_lhs_hint = false} : vector<1000x128xf32>, vector<64x128xf32>, vector<1000x64xf32> -> vector<1000x64xf32>
    %get3A_18 = arith.constant 0 : index
    %get3A_19 = arith.constant 0 : index
    %get3A_20 = vector.load %arg5[%get3A_18, %get3A_19] : memref<1x64xf32, #tpu.memory_space<vmem>>, vector<1x64xf32>
    %add3A_21 = vector.broadcast %get3A_20 : vector<1x64xf32> to vector<1000x64xf32>
    %add3A_22 = arith.addf %dot_general3A_17, %add3A_21 : vector<1000x64xf32>
    %get3A_23 = arith.constant 0 : index
    %get3A_24 = arith.constant 0 : index
    %get3A_25 = vector.load %arg6[%get3A_23, %get3A_24] : memref<1000x64xf32, #tpu.memory_space<vmem>>, vector<1000x64xf32>
    %add3A_26 = arith.addf %add3A_22, %get3A_25 : vector<1000x64xf32>
    %ge3A_27 = arith.constant 0.000000e+00 : f32
    %ge3A_28 = vector.broadcast %ge3A_27 : f32 to vector<1000x64xf32>
    %ge3A_29 = arith.cmpf oge, %add3A_26, %ge3A_28 : vector<1000x64xf32>
    %mul3A_30 = arith.constant 0.00999999977 : f32
    %mul3A_31 = vector.broadcast %mul3A_30 : f32 to vector<1000x64xf32>
    %mul3A_32 = arith.mulf %add3A_26, %mul3A_31 : vector<1000x64xf32>
    %select_n3A_33 = arith.select %ge3A_29, %add3A_26, %mul3A_32 : vector<1000x64xi1>, vector<1000x64xf32>
    %swap3A = arith.constant 0 : index
    %swap3A_34 = arith.constant 0 : index
    %swap3A_35 = vector.load %arg10[%swap3A, %swap3A_34] : memref<1000x64xf32, #tpu.memory_space<vmem>>, vector<1000x64xf32>
    tpu.vector_store %arg10[%swap3A, %swap3A_34], %select_n3A_33 {strides = array<i32>} : memref<1000x64xf32, #tpu.memory_space<vmem>>, vector<1000x64xf32>,
    %get3A_36 = arith.constant 0 : index
    %get3A_37 = arith.constant 0 : index
    %get3A_38 = vector.load %arg7[%get3A_36, %get3A_37] : memref<64x64xf32, #tpu.memory_space<vmem>>, vector<64x64xf32>
    %dot_general3A_39 = arith.constant dense<0.000000e+00> : vector<1000x64xf32>
    %dot_general3A_40 = tpu.matmul %select_n3A_33, %get3A_38, %dot_general3A_39 {dimension_numbers = #tpu.dot_dimension_numbers<[1], [1], [0], [0], [0, 0, 1, 0], [], []>, transpose_lhs_hint = false} : vector<1000x64xf32>, vector<64x64xf32>, vector<1000x64xf32> -> vector<1000x64xf32>
    %get3A_41 = arith.constant 0 : index
    %get3A_42 = arith.constant 0 : index
    %get3A_43 = vector.load %arg8[%get3A_41, %get3A_42] : memref<1x64xf32, #tpu.memory_space<vmem>>, vector<1x64xf32>
    %add3A_44 = vector.broadcast %get3A_43 : vector<1x64xf32> to vector<1000x64xf32>
    %add3A_45 = arith.addf %dot_general3A_40, %add3A_44 : vector<1000x64xf32>
    %ge3A_46 = arith.constant 0.000000e+00 : f32
    %ge3A_47 = vector.broadcast %ge3A_46 : f32 to vector<1000x64xf32>
    %ge3A_48 = arith.cmpf oge, %add3A_45, %ge3A_47 : vector<1000x64xf32>
    %mul3A_49 = arith.constant 0.00999999977 : f32
    %mul3A_50 = vector.broadcast %mul3A_49 : f32 to vector<1000x64xf32>
    %mul3A_51 = arith.mulf %add3A_45, %mul3A_50 : vector<1000x64xf32>
    %select_n3A_52 = arith.select %ge3A_48, %add3A_45, %mul3A_51 : vector<1000x64xi1>, vector<1000x64xf32>
    %get3A_53 = arith.constant 0 : index
    %get3A_54 = arith.constant 0 : index
    %get3A_55 = vector.load %arg9[%get3A_53, %get3A_54] : memref<1000x64xf32, #tpu.memory_space<vmem>>, vector<1000x64xf32>
    %add3A_56 = arith.addf %select_n3A_52, %get3A_55 : vector<1000x64xf32>
    %swap3A_57 = arith.constant 0 : index
    %swap3A_58 = arith.constant 0 : index
    %swap3A_59 = vector.load %arg11[%swap3A_57, %swap3A_58] : memref<1000x64xf32, #tpu.memory_space<vmem>>, vector<1000x64xf32>
    tpu.vector_store %arg11[%swap3A_57, %swap3A_58], %add3A_56 {strides = array<i32>} : memref<1000x64xf32, #tpu.memory_space<vmem>>, vector<1000x64xf32>,
    return
  }
  func.func @transform_0(%arg0: i32) -> (i32, i32) {
    %c0_i32 = arith.constant 0 : i32
    %c0_i32_0 = arith.constant 0 : i32
    return %arg0, %c0_i32 : i32, i32
  }
  func.func @transform_1(%arg0: i32) -> (i32, i32) {
    %add3A = arith.constant 10 : i32
    %add3A_0 = arith.addi %arg0, %add3A : i32
    %c0_i32 = arith.constant 0 : i32
    %c0_i32_1 = arith.constant 0 : i32
    return %add3A_0, %c0_i32 : i32, i32
  }
  func.func @transform_2(%arg0: i32) -> (i32, i32) {
    %c0_i32 = arith.constant 0 : i32
    %c0_i32_0 = arith.constant 0 : i32
    %c0_i32_1 = arith.constant 0 : i32
    return %c0_i32, %c0_i32_0 : i32, i32
  }
  func.func @transform_3(%arg0: i32) -> (i32, i32) {
    %c0_i32 = arith.constant 0 : i32
    %c0_i32_0 = arith.constant 0 : i32
    %c0_i32_1 = arith.constant 0 : i32
    return %c0_i32, %c0_i32_0 : i32, i32
  }
  func.func @transform_4(%arg0: i32) -> (i32, i32) {
    %c0_i32 = arith.constant 0 : i32
    %c0_i32_0 = arith.constant 0 : i32
    %c0_i32_1 = arith.constant 0 : i32
    return %c0_i32, %c0_i32_0 : i32, i32
  }
  func.func @transform_5(%arg0: i32) -> (i32, i32) {
    %c0_i32 = arith.constant 0 : i32
    %c0_i32_0 = arith.constant 0 : i32
    return %arg0, %c0_i32 : i32, i32
  }
  func.func @transform_6(%arg0: i32) -> (i32, i32) {
    %c0_i32 = arith.constant 0 : i32
    %c0_i32_0 = arith.constant 0 : i32
    %c0_i32_1 = arith.constant 0 : i32
    return %c0_i32, %c0_i32_0 : i32, i32
  }
  func.func @transform_7(%arg0: i32) -> (i32, i32) {
    %c0_i32 = arith.constant 0 : i32
    %c0_i32_0 = arith.constant 0 : i32
    %c0_i32_1 = arith.constant 0 : i32
    return %c0_i32, %c0_i32_0 : i32, i32
  }
  func.func @transform_8(%arg0: i32) -> (i32, i32) {
    %c0_i32 = arith.constant 0 : i32
    %c0_i32_0 = arith.constant 0 : i32
    return %arg0, %c0_i32 : i32, i32
  }
  func.func @transform_9(%arg0: i32) -> (i32, i32) {
    %c0_i32 = arith.constant 0 : i32
    %c0_i32_0 = arith.constant 0 : i32
    return %arg0, %c0_i32 : i32, i32
  }
  func.func @transform_10(%arg0: i32) -> (i32, i32) {
    %c0_i32 = arith.constant 0 : i32
    %c0_i32_0 = arith.constant 0 : i32
    return %arg0, %c0_i32 : i32, i32
  }
}

module attributes {stable_mosaic.version = 14 : i64} {
  func.func @_tc_post_body(%arg0: i32, %arg1: memref<1000x64xf32, #tpu.memory_space<vmem>>, %arg2: memref<1000x64xf32, #tpu.memory_space<vmem>>, %arg3: memref<64x64xf32, #tpu.memory_space<vmem>>, %arg4: memref<64x64xf32, #tpu.memory_space<vmem>>, %arg5: memref<1x64xf32, #tpu.memory_space<vmem>>, %arg6: memref<1000x64xf32, #tpu.memory_space<vmem>>, %arg7: memref<1000x64xf32, #tpu.memory_space<vmem>>) attributes {dimension_semantics = [#tpu.dimension_semantics<arbitrary>], iteration_bounds = array<i64: 10>, scalar_prefetch = 0 : i64, scratch_operands = 0 : i64, tpu.core_type = #tpu.core_type<tc>, window_params = [{transform_indices = @transform_0, window_bounds = array<i64: 1000, 64>}, {transform_indices = @transform_1, window_bounds = array<i64: 1000, 64>}, {pipeline_mode = #tpu.pipeline_mode<synchronous>, transform_indices = @transform_2, window_bounds = array<i64: 64, 64>}, {pipeline_mode = #tpu.pipeline_mode<synchronous>, transform_indices = @transform_3, window_bounds = array<i64: 64, 64>}, {pipeline_mode = #tpu.pipeline_mode<synchronous>, transform_indices = @transform_4, window_bounds = array<i64: 1, 64>}, {transform_indices = @transform_5, window_bounds = array<i64: 1000, 64>}, {transform_indices = @transform_6, window_bounds = array<i64: 1000, 64>}]} {
    %get3A = arith.constant 0 : index
    %get3A_0 = arith.constant 0 : index
    %get3A_1 = vector.load %arg1[%get3A, %get3A_0] : memref<1000x64xf32, #tpu.memory_space<vmem>>, vector<1000x64xf32>
    %get3A_2 = arith.constant 0 : index
    %get3A_3 = arith.constant 0 : index
    %get3A_4 = vector.load %arg2[%get3A_2, %get3A_3] : memref<1000x64xf32, #tpu.memory_space<vmem>>, vector<1000x64xf32>
    %add3A = arith.addf %get3A_1, %get3A_4 : vector<1000x64xf32>
    %get3A_5 = arith.constant 0 : index
    %get3A_6 = arith.constant 0 : index
    %get3A_7 = vector.load %arg3[%get3A_5, %get3A_6] : memref<64x64xf32, #tpu.memory_space<vmem>>, vector<64x64xf32>
    %dot_general3A = arith.constant dense<0.000000e+00> : vector<1000x64xf32>
    %dot_general3A_8 = tpu.matmul %add3A, %get3A_7, %dot_general3A {dimension_numbers = #tpu.dot_dimension_numbers<[1], [0], [0], [1], [0, 0, 1, 1], [], []>, transpose_lhs_hint = false} : vector<1000x64xf32>, vector<64x64xf32>, vector<1000x64xf32> -> vector<1000x64xf32>
    %ge3A = arith.constant 0.000000e+00 : f32
    %ge3A_9 = vector.broadcast %ge3A : f32 to vector<1000x64xf32>
    %ge3A_10 = arith.cmpf oge, %dot_general3A_8, %ge3A_9 : vector<1000x64xf32>
    %mul3A = arith.constant 0.00999999977 : f32
    %mul3A_11 = vector.broadcast %mul3A : f32 to vector<1000x64xf32>
    %mul3A_12 = arith.mulf %dot_general3A_8, %mul3A_11 : vector<1000x64xf32>
    %select_n3A = arith.select %ge3A_10, %dot_general3A_8, %mul3A_12 : vector<1000x64xi1>, vector<1000x64xf32>
    %get3A_13 = arith.constant 0 : index
    %get3A_14 = arith.constant 0 : index
    %get3A_15 = vector.load %arg4[%get3A_13, %get3A_14] : memref<64x64xf32, #tpu.memory_space<vmem>>, vector<64x64xf32>
    %dot_general3A_16 = arith.constant dense<0.000000e+00> : vector<1000x64xf32>
    %dot_general3A_17 = tpu.matmul %select_n3A, %get3A_15, %dot_general3A_16 {dimension_numbers = #tpu.dot_dimension_numbers<[1], [1], [0], [0], [0, 0, 1, 0], [], []>, transpose_lhs_hint = false} : vector<1000x64xf32>, vector<64x64xf32>, vector<1000x64xf32> -> vector<1000x64xf32>
    %get3A_18 = arith.constant 0 : index
    %get3A_19 = arith.constant 0 : index
    %get3A_20 = vector.load %arg5[%get3A_18, %get3A_19] : memref<1x64xf32, #tpu.memory_space<vmem>>, vector<1x64xf32>
    %add3A_21 = vector.broadcast %get3A_20 : vector<1x64xf32> to vector<1000x64xf32>
    %add3A_22 = arith.addf %dot_general3A_17, %add3A_21 : vector<1000x64xf32>
    %get3A_23 = arith.constant 0 : index
    %get3A_24 = arith.constant 0 : index
    %get3A_25 = vector.load %arg6[%get3A_23, %get3A_24] : memref<1000x64xf32, #tpu.memory_space<vmem>>, vector<1000x64xf32>
    %add3A_26 = arith.addf %add3A_22, %get3A_25 : vector<1000x64xf32>
    %ge3A_27 = arith.constant 0.000000e+00 : f32
    %ge3A_28 = vector.broadcast %ge3A_27 : f32 to vector<1000x64xf32>
    %ge3A_29 = arith.cmpf oge, %add3A_26, %ge3A_28 : vector<1000x64xf32>
    %mul3A_30 = arith.constant 0.00999999977 : f32
    %mul3A_31 = vector.broadcast %mul3A_30 : f32 to vector<1000x64xf32>
    %mul3A_32 = arith.mulf %add3A_26, %mul3A_31 : vector<1000x64xf32>
    %select_n3A_33 = arith.select %ge3A_29, %add3A_26, %mul3A_32 : vector<1000x64xi1>, vector<1000x64xf32>
    %swap3A = arith.constant 0 : index
    %swap3A_34 = arith.constant 0 : index
    %swap3A_35 = vector.load %arg7[%swap3A, %swap3A_34] : memref<1000x64xf32, #tpu.memory_space<vmem>>, vector<1000x64xf32>
    tpu.vector_store %arg7[%swap3A, %swap3A_34], %select_n3A_33 {strides = array<i32>} : memref<1000x64xf32, #tpu.memory_space<vmem>>, vector<1000x64xf32>,
    return
  }
  func.func @transform_0(%arg0: i32) -> (i32, i32) {
    %c0_i32 = arith.constant 0 : i32
    %c0_i32_0 = arith.constant 0 : i32
    return %arg0, %c0_i32 : i32, i32
  }
  func.func @transform_1(%arg0: i32) -> (i32, i32) {
    %add3A = arith.constant 10 : i32
    %add3A_0 = arith.addi %arg0, %add3A : i32
    %c0_i32 = arith.constant 0 : i32
    %c0_i32_1 = arith.constant 0 : i32
    return %add3A_0, %c0_i32 : i32, i32
  }
  func.func @transform_2(%arg0: i32) -> (i32, i32) {
    %c0_i32 = arith.constant 0 : i32
    %c0_i32_0 = arith.constant 0 : i32
    %c0_i32_1 = arith.constant 0 : i32
    return %c0_i32, %c0_i32_0 : i32, i32
  }
  func.func @transform_3(%arg0: i32) -> (i32, i32) {
    %c0_i32 = arith.constant 0 : i32
    %c0_i32_0 = arith.constant 0 : i32
    %c0_i32_1 = arith.constant 0 : i32
    return %c0_i32, %c0_i32_0 : i32, i32
  }
  func.func @transform_4(%arg0: i32) -> (i32, i32) {
    %c0_i32 = arith.constant 0 : i32
    %c0_i32_0 = arith.constant 0 : i32
    %c0_i32_1 = arith.constant 0 : i32
    return %c0_i32, %c0_i32_0 : i32, i32
  }
  func.func @transform_5(%arg0: i32) -> (i32, i32) {
    %c0_i32 = arith.constant 0 : i32
    %c0_i32_0 = arith.constant 0 : i32
    return %arg0, %c0_i32 : i32, i32
  }
  func.func @transform_6(%arg0: i32) -> (i32, i32) {
    %c0_i32 = arith.constant 0 : i32
    %c0_i32_0 = arith.constant 0 : i32
    return %arg0, %c0_i32 : i32, i32
  }
}

</mosaic_0001>

<sc_bundles>
// kernel: kernel.10.cloned.1.call-start
scs
__scs_entry_jumppad:
0x0: {  	(pc) =	sbr.rel $0x88, $3  }
0x1: {  	(tag) =	ssettag $0x0;
	lr =	simm.s32 $0x1  }
0x2: {  	[smem:$0x3F93] =	sst lr;
	_ =	strace $0xD0000000  }
0x3: {  	_ = 	snop  }
0x4: {  	_ = 	snop  }
0x5: {  	_ = 	snop  }
0x6: {  	_ = 	snop  }
0x7: {  	_ = 	snop  }
__scs_overlays_trampoline_lowered:
0x8: {  	[smem:$0x3FA2] =	sst s0  }
0x9: {  	[smem:$0x3FA3] =	sst s1  }
0xa: {  	[smem:$0x3FA4] =	sst s2  }
0xb: {  	[smem:$0x3FA5] =	sst s3  }
0xc: {  	[smem:$0x3FA6] =	sst s4  }
0xd: {  	[smem:$0x3FA7] =	sst s5  }
0xe: {  	[smem:$0x3FA8] =	sst s6  }
0xf: {  	[smem:$0x3FA9] =	sst s7  }
0x10: {  	[smem:$0x3FAA] =	sst s8  }
0x11: {  	[smem:$0x3FAB] =	sst s9;
	s0 =	simm.s32 @!p0 $0x0  }
0x12: {  	s1 =	sld [smem:$0x3F91];
	s0 =	simm.s32 @p0 $0x1  }
0x13: {  	[smem:$0x3FAC] =	sst s0;
	s0 =	simm.s32 @!p1 $0x0  }
0x14: {  	s2 =	sld [smem:$0x3F90];
	s0 =	simm.s32 @p1 $0x1  }
0x15: {  	[smem:$0x3FAD] =	sst s0;
	s0 =	simm.s32 @!p2 $0x0  }
0x16: {  	s3 =	sld [smem:$0x3FDB];
	s0 =	simm.s32 @p2 $0x1  }
0x17: {  	s4 =	simm.s32 $0x1BF5;
	[smem:$0x3FAF] =	sst s0  }
0x18: {  	s0 =	sld [smem:$0x3F92];
	_ =	swait.ge [sflag:s4], $0x0  }
0x19: {  	s7 =	sld [smem:$0x3F93]  }
0x1a: {  	s8 =	sadd.s32 $0xFFFFE003, lr  }
0x1b: {  	s9 =	sadd.s32 $0xFFFFFEF7, lr;
	s5 =	simm.s32 $0xFFFFFFFF;
	p2 =	slt.u32 s8, $0xFFFFF086  }
0x1c: {  	p1 =	slt.u32 s9, $0xF7A;
	s5 =	simm.s32 @!p2 $0x0  }
0x1d: {  	s5 =	simm.s32 @p1 $0x1;
	p0 =	seq.s32 s7, s2  }
0x1e: {  	s7 =	smul.u32 @!p0 $0xF7A, s2;
	p2 =	seq.s32 @!p0 s5, $0x0  }
0x1f: {  	s9 =	smul.u32 $0xF7A, s1;
	s8 =	simm.s32 @!p0 $0x1BF5;
	p2 =	por !p2, p0  }
0x20: {  	[sflag:s8] =	ssyncset.s32 @!p0 $0xFFFFF086;
	s6 =	sadd.s32 @!p0 s3, s7;
	s7 =	simm.s32 @!p0 $0x108  }
0x21: {  	s3 =	sadd.s32 s3, s9;
	s6 =	sadd.s32 @!p0 $0x88, s6;
	s7 =	simm.s32 @p2 $0x1082  }
0x22: {  	[simem:s7], [sflag:s8] =	dma.local @!p0 [hbm:s6], $0xF7A  }
0x23: {  	s9 =	sor.u32 $0xD0000000, s2;
	s6 =	simm.s32 $0x108;
	_ =	swait.ge @!p0 [sflag:s8], $0x0  }
0x24: {  	s3 =	sadd.s32 $0x88, s3;
	s6 =	simm.s32 @!p1 $0x1082;
	[sflag:s4] =	ssyncset.s32 $0xFFFFF086  }
0x25: {  	[simem:s6], [sflag:s4] =	dma.local [hbm:s3], $0xF7A  }
0x26: {  	[smem:$0x3F93] =	sst s1;
	(tag) =	ssettag s2;
	_ =	strace s9  }
0x27: {  	s1 =	sld [smem:$0x3FA3]  }
0x28: {  	s2 =	sld [smem:$0x3FA4]  }
0x29: {  	s4 =	sld [smem:$0x3FA6]  }
0x2a: {  	p0 =	seq.s32 s5, $0x0;
	s5 =	sld [smem:$0x3FA7]  }
0x2b: {  	s6 =	sld [smem:$0x3FA8]  }
0x2c: {  	s7 =	sld [smem:$0x3FA9]  }
0x2d: {  	s3 =	simm.s32 $0x108;
	s8 =	sld [smem:$0x3FAA]  }
0x2e: {  	s3 =	simm.s32 @!p0 $0x1082;
	s9 =	sld [smem:$0x3FAB]  }
0x2f: {  	lr =	sadd.s32 s0, s3;
	s0 =	sld [smem:$0x3FA2]  }
0x30: {  	s3 =	sld [smem:$0x3FA5]  }
0x31: {  	[smem:$0x3FAE] =	sst s10  }
0x32: {  	s10 =	sld [smem:$0x3FAC];
	_ =	sdelay $0x3  }
0x33: {  	p0 =	seq.s32 s10, $0x1;
	s10 =	sld [smem:$0x3FAE];
	_ =	sdelay $0x3  }
0x34: {  	[smem:$0x3FAE] =	sst s10  }
0x35: {  	s10 =	sld [smem:$0x3FAD];
	_ =	sdelay $0x3  }
0x36: {  	p1 =	seq.s32 s10, $0x1;
	s10 =	sld [smem:$0x3FAE];
	_ =	sdelay $0x3  }
0x37: {  	[smem:$0x3FAE] =	sst s10  }
0x38: {  	s10 =	sld [smem:$0x3FAF]  }
0x39: {  	_ = 	snop;
	(pc) =	sbr.ind lr, $3  }
0x3a: {  	_ = 	snop  }
0x3b: {  	_ = 	snop  }
0x3c: {  	p2 =	seq.s32 s10, $0x1;
	s10 =	sld [smem:$0x3FAE]  }
0x3d: {  	_ =	shalt  }
0x3e: {  	_ =	shalt  }
0x3f: {  	_ =	shalt  }
0x40: {  	_ =	shalt  }
0x41: {  	_ =	shalt  }
0x42: {  	_ =	shalt  }
0x43: {  	_ =	shalt  }
0x44: {  	_ =	shalt  }
0x45: {  	_ =	shalt  }
0x46: {  	_ =	shalt  }
0x47: {  	_ =	shalt  }
0x48: {  	_ =	shalt  }
0x49: {  	_ =	shalt  }
0x4a: {  	_ =	shalt  }
0x4b: {  	_ =	shalt  }
0x4c: {  	_ =	shalt  }
0x4d: {  	_ =	shalt  }
0x4e: {  	_ =	shalt  }
0x4f: {  	_ =	shalt  }
0x50: {  	_ =	shalt  }
0x51: {  	_ =	shalt  }
0x52: {  	_ =	shalt  }
0x53: {  	_ =	shalt  }
0x54: {  	_ =	shalt  }
0x55: {  	_ =	shalt  }
0x56: {  	_ =	shalt  }
0x57: {  	_ =	shalt  }
0x58: {  	_ =	shalt  }
0x59: {  	_ =	shalt  }
0x5a: {  	_ =	shalt  }
0x5b: {  	_ =	shalt  }
0x5c: {  	_ =	shalt  }
0x5d: {  	_ =	shalt  }
0x5e: {  	_ =	shalt  }
0x5f: {  	_ =	shalt  }
0x60: {  	_ =	shalt  }
0x61: {  	_ =	shalt  }
0x62: {  	_ =	shalt  }
0x63: {  	_ =	shalt  }
0x64: {  	_ =	shalt  }
0x65: {  	_ =	shalt  }
0x66: {  	_ =	shalt  }
0x67: {  	_ =	shalt  }
0x68: {  	_ =	shalt  }
0x69: {  	_ =	shalt  }
0x6a: {  	_ =	shalt  }
0x6b: {  	_ =	shalt  }
0x6c: {  	_ =	shalt  }
0x6d: {  	_ =	shalt  }
0x6e: {  	_ =	shalt  }
0x6f: {  	_ =	shalt  }
0x70: {  	_ =	shalt  }
0x71: {  	_ =	shalt  }
0x72: {  	_ =	shalt  }
0x73: {  	_ =	shalt  }
0x74: {  	_ =	shalt  }
0x75: {  	_ =	shalt  }
0x76: {  	_ =	shalt  }
0x77: {  	_ =	shalt  }
0x78: {  	_ =	shalt  }
0x79: {  	_ =	shalt  }
0x7a: {  	_ =	shalt  }
0x7b: {  	_ =	shalt  }
0x7c: {  	_ =	shalt  }
0x7d: {  	_ =	shalt  }
0x7e: {  	_ =	shalt  }
0x7f: {  	_ =	shalt  }
0x80: {  	_ =	shalt  }
0x81: {  	_ =	shalt  }
0x82: {  	_ =	shalt  }
0x83: {  	_ =	shalt  }
0x84: {  	_ =	shalt  }
0x85: {  	_ =	shalt  }
0x86: {  	_ =	shalt  }
0x87: {  	_ =	shalt  }
.Lfunc_end0:
.L_simem_size_0:
called_computation.1_lowered:
.L_overlay_start_0:
0x88: {  	s2 =	sld [smem:$0x3FD9]  }
0x89: {  	s3 =	sld [smem:$0x3FFE];
	_ =	sdelay $0x1  }
0x8a: {  	s1 =	srdreg.scid  }
0x8b: {  	s0 =	sand.u32 $0x1, s1  }
0x8c: {  	s17 =	sshll.u32 s0, $0xA;
	s2 =	sadd.s32 s3, s2  }
0x8d: {  	s2 =	sadd.s32 s2, s17  }
0x8e: {  	[smem:$0x3FBA] =	sst s2  }
0x8f: {  	_ = 	snop  }
0x90: {  	s2 =	sld [smem:$0x3FD0];
	(tm) =	ssettm $0x1  }
0x91: {  	s18 =	sld [smem:$0x3FFB];
	_ =	sdelay $0x3  }
0x92: {  	_ =	strace s18  }
0x93: {  	s3 =	sld [smem:$0x3FFC];
	_ =	sdelay $0x3  }
0x94: {  	_ =	strace s3  }
0x95: {  	s3 =	sld [smem:$0x3FFD];
	_ =	sdelay $0x3  }
0x96: {  	_ =	strace s3  }
0x97: {  	_ =	strace $0x8FFFFFFF  }
0x98: {  	s19 =	sld [smem:$0x3FDB];
	_ =	sdelay $0x1  }
0x99: {  	s4 =	simm.s32 $_scs_section_size  }
0x9a: {  	s5 =	simm.s32 $_size__tile_overlayer_lowered;
	s6 =	simm.s32 $_tile_overlayer_lowered  }
0x9b: {  	s22 =	simm.s32 $0x1BFF;
	s21 =	sshll.u32 s6, $0x1;
	s3 =	sadd.s32 s4, s19  }
0x9c: {  	s7 =	simm.s32 $0x0;
	s20 =	sshll.u32 s5, $0x1;
	s5 =	sadd.s32 s21, s3  }
0x9d: {  	[timem:s7], [sflag:s22] =	dma.local [hbm:s5], s20  }
0x9e: {  	_ =	swait.ge [sflag:s22], s20  }
0x9f: {  	s4 =	ssub.s32 $0x0, s20;
	[sflag:s22] =	ssyncset.done $0x0  }
0xa0: {  	[sflag:s22] =	ssyncadd.s32 s4;
	_ =	sdelay $0x1  }
0xa1: {  	s23 =	simm.s32 $0x1B8B  }
0xa2: {  	_ =	swait.ge [sflag:s23], $0x1  }
0xa3: {  	[sflag:s23] =	ssyncset.done $0x0  }
0xa4: {  	s25 =	simm.s32 $0x1B8E;
	s24 =	sld [smem:$0x3FFE];
	[sflag:s23] =	ssyncadd.s32 $0xFFFFFFFF  }
0xa5: {  	s26 =	simm.s32 $execute0_lowered;
	[smem:$0x3FD2] =	sst s25  }
0xa6: {  	s5 =	sshll.u32 s26, $0x1;
	_ =	strace $0x80000049;
	[dreg:$0x1] =	wrdreg $0xFFFFFFFF  }
0xa7: {  	s28 =	simm.s32 $_size_execute0_lowered;
	s3 =	sadd.s32 s3, s5;
	[dreg:$0x0] =	wrdreg $0x0  }
0xa8: {  	s5 =	sshll.u32 s28, $0x1;
	[dreg:$0x2] =	wrdreg s3  }
0xa9: {  	[dreg:$0x3] =	wrdreg s5  }
0xaa: {  	[dreg:$0x4] =	wrdreg $0xC0  }
0xab: {  	_ =	task [dreg:s7], $0x5FFFF  }
0xac: {  	[dreg:$0x1] =	wrdreg $0xFFFFFFFF  }
0xad: {  	[dreg:$0x0] =	wrdreg $0x60  }
0xae: {  	[dreg:$0x2] =	wrdreg s2  }
0xaf: {  	[dreg:$0x3] =	wrdreg s24  }
0xb0: {  	[dreg:$0x4] =	wrdreg $0x0  }
0xb1: {  	[dreg:$0x5] =	wrdreg $0x9  }
0xb2: {  	_ =	task.clear_ibuf [dreg:s7], $0x6FFFF;
	_ =	strace $0x90000049  }
0xb3: {  	s29 =	simm.s32 $0x9;
	_ =	strace $0x8000004B  }
0xb4: {  	_ =	swait.ge [sflag:s29], $0x1  }
0xb5: {  	[sflag:s29] =	ssyncadd.s32 $0xFFFFFFFF  }
0xb6: {  	_ =	strace $0x9000004B  }
0xb7: {  	_ =	sfence  }
0xb8: {  	s30 =	sld [smem:$0x0];
	_ =	sdelay $0x2  }
0xb9: {  	s31 =	sshll.u32 s1, $0xD;
	s1 =	sshrl.u32 s1, $0x2  }
0xba: {  	s3 =	sand.u32 $0x4000, s31;
	s1 =	sadd.s32 s1, s30  }
0xbb: {  	s0 =	sor.u32 s3, s0;
	s1 =	sshll.u32 s1, $0x11  }
0xbc: {  	s0 =	sor.u32 s1, s0  }
0xbd: {  	s0 =	sadd.s32 $0x8F2B, s0  }
0xbe: {  	[sflag:s0] =	ssyncadd.remote.s32 $0x1  }
0xbf: {  	_ =	sfence.sel $0xFFFF  }
0xc0: {  	[dreg:$0x0] =	wrdreg $0xFFFFFFFF;
	(pc) =	sbr.abs _section_cstart, $3  }
0xc1: {  	[dreg:$0x1] =	wrdreg $0xFFFFFFFF  }
0xc2: {  	_ =	task.clear_ibuf [dreg:s7], $0x2FFFF;
	_ =	strace $0x9FFFFFFF  }
0xc3: {  	(tm) =	ssettm $0x7FFFFFFF  }
tec
execute0_lowered:
.L_overlay_start_1:
0x0: {  	(tag) =	ssettag $0x1  }
0x1: {  	s1 =	rddreg [dreg:$0x0]  }
0x2: {  	s0 =	srdreg.scid;
	s2 =	rddreg [dreg:$0x1]  }
0x3: {  	s10 =	stileid.u32;
	s3 =	rddreg [dreg:$0x2];
	s28 =	simm.s32 $0x112A0  }
0x4: {  	s29 =	simm.s32 $0x1;
	s31 =	simm.s32 $0x126A0;
	s30 =	simm.s32 $0x3  }
0x5: {  	s0 =	sand.u32 $0x1, s0;
	s4 =	sshll.u32 s10, $0x1;
	s6 =	smul.u32 $0x27200, s10  }
0x6: {  	s7 =	sadd.s32 $0x15C00, s2;
	s18 =	smul.u32 $0x1390, s10;
	p0 =	seq.s32 s10, $0xF  }
0x7: {  	s10 =	simm.s32 $0xA;
	s5 =	sor.u32 s0, s4;
	s21 =	smul.u32 $0x9C400, s0  }
0x8: {  	s4 =	simm.s32 $0x0;
	s17 =	ssub.s32 $0x2, s0;
	s0 =	smul.u32 $0x13880, s0  }
0x9: {  	s5 =	smul.u32 $0x4E2, s5;
	[smem:$0x7FF] =	sst s4;
	s6 =	sshrl.u32 s6, $0x2  }
0xa: {  	s8 =	sshrl.u32 s17, $0x1;
	_ =	strace $0x8000004A;
	s6 =	sadd.s32 s6, s3  }
0xb: {  	[dreg:$0x4] =	wrdreg s7;
	s7 =	ssub.s32 s17, s8;
	s9 =	sadd.s32 $0x1400, s6  }
0xc: {  	s0 =	sadd.s32 s18, s0;
	s19 =	sadd.s32 $0x2800, s6;
	[dreg:$0x5] =	wrdreg s9  }
0xd: {  	s8 =	simm.s32 $0x8;
	s20 =	sadd.s32 $0x3C00, s6;
	[dreg:$0x6] =	wrdreg s19  }
0xe: {  	s5 =	sadd.s32 s5, s2;
	s11 =	sadd.s32 $0x5000, s6;
	[dreg:$0x7] =	wrdreg s20  }
0xf: {  	s2 =	sadd.s32 $0x16000, s2;
	s22 =	sadd.s32 $0x6400, s6;
	[dreg:$0x8] =	wrdreg s11  }
0x10: {  	s23 =	sadd.s32 $0x7800, s6;
	s24 =	sadd.s32 $0x8C00, s6;
	[dreg:$0x9] =	wrdreg s22  }
0x11: {  	s18 =	smax.u32 s7, $0x1;
	s7 =	simm.s32 $0x5;
	[dreg:$0xa] =	wrdreg s23  }
0x12: {  	[dreg:$0xb] =	wrdreg s24;
	s9 =	sshrl.u32 s21, $0x3;
	s25 =	sadd.s32 $0xBE00, s5  }
0x13: {  	s15 =	sadd.s32 $0x2000, s5;
	s16 =	sadd.s32 s2, s0;
	s19 =	simm.s32 $0xEAA0  }
0x14: {  	s20 =	simm.s32 $0xB;
	s21 =	simm.s32 $0x9C80;
	s22 =	simm.s32 $0xC390  }
0x15: {  	s23 =	simm.s32 $0x50;
	s24 =	simm.s32 $0x6;
	s0 =	simm.s32 $0x4  }
0x16: {  	s5 =	simm.s32 $0x7;
	s11 =	simm.s32 $0x0;
	[dreg:$0xc] =	wrdreg s25  }
0x17: {  	s26 =	sadd.s32 s2, s9;
	s25 =	simm.s32 $0xFEA0;
	s2 =	simm.s32 $0x2  }
0x18: {  	s9 =	simm.s32 $0x9;
	s17 =	sadd.s32 $0x12570, s26;
	s26 =	simm.s32 $0x13AA0  }
.LBB2_1:
0x19: {  	s12 =	rddreg [dreg:$0x4]  }
0x1a: {  	[tilespmem:s19], [sflag:$0xB] =	stream.linear.gather [hbm4b:s12+s4], $0x1400, $0x38;
	[tilespmem:$0x14EA0] =	vst v63  }
0x1b: {  	_ =	swait.ge [sflag:s20], $0x1400  }
0x1c: {  	[sflag:s20] =	ssyncset.done $0x0  }
0x1d: {  	[sflag:s20] =	ssyncadd.s32 $0xFFFFEC00  }
0x1e: {  	[spmem:s6] =	stream.linear.scatter [tilespmem:s19], [sflag:$0xB], $0x1400, $0x38;
	[tilespmem:$0x14EA0] =	vst v63  }
0x1f: {  	_ =	swait.ge [sflag:s20], $0x1400  }
0x20: {  	[sflag:s20] =	ssyncset.done $0x0  }
0x21: {  	s14 =	rddreg [dreg:$0x5];
	[sflag:s20] =	ssyncadd.s32 $0xFFFFEC00  }
0x22: {  	[spmem:s14] =	stream.linear.scatter [tilespmem:s19], [sflag:$0xB], $0x1400, $0x38;
	[tilespmem:$0x14EA0] =	vst v63  }
0x23: {  	_ =	swait.ge [sflag:s20], $0x1400  }
0x24: {  	[sflag:s20] =	ssyncset.done $0x0  }
0x25: {  	s13 =	rddreg [dreg:$0x6];
	[sflag:s20] =	ssyncadd.s32 $0xFFFFEC00  }
0x26: {  	[spmem:s13] =	stream.linear.scatter [tilespmem:s19], [sflag:$0xB], $0x1400, $0x38;
	[tilespmem:$0x14EA0] =	vst v63  }
0x27: {  	_ =	swait.ge [sflag:s20], $0x1400  }
0x28: {  	[sflag:s20] =	ssyncset.done $0x0  }
0x29: {  	s14 =	rddreg [dreg:$0x7];
	[sflag:s20] =	ssyncadd.s32 $0xFFFFEC00  }
0x2a: {  	[spmem:s14] =	stream.linear.scatter [tilespmem:s19], [sflag:$0xB], $0x1400, $0x38;
	[tilespmem:$0x14EA0] =	vst v63  }
0x2b: {  	_ =	swait.ge [sflag:s20], $0x1400  }
0x2c: {  	[sflag:s20] =	ssyncset.done $0x0  }
0x2d: {  	s13 =	rddreg [dreg:$0x8];
	[sflag:s20] =	ssyncadd.s32 $0xFFFFEC00  }
0x2e: {  	[spmem:s13] =	stream.linear.scatter [tilespmem:s19], [sflag:$0xB], $0x1400, $0x38;
	[tilespmem:$0x14EA0] =	vst v63  }
0x2f: {  	_ =	swait.ge [sflag:s20], $0x1400  }
0x30: {  	[sflag:s20] =	ssyncset.done $0x0  }
0x31: {  	s14 =	rddreg [dreg:$0x9];
	[sflag:s20] =	ssyncadd.s32 $0xFFFFEC00  }
0x32: {  	[spmem:s14] =	stream.linear.scatter [tilespmem:s19], [sflag:$0xB], $0x1400, $0x38;
	[tilespmem:$0x14EA0] =	vst v63  }
0x33: {  	_ =	swait.ge [sflag:s20], $0x1400  }
0x34: {  	[sflag:s20] =	ssyncset.done $0x0  }
0x35: {  	s13 =	rddreg [dreg:$0xa];
	[sflag:s20] =	ssyncadd.s32 $0xFFFFEC00  }
0x36: {  	[spmem:s13] =	stream.linear.scatter [tilespmem:s19], [sflag:$0xB], $0x1400, $0x38;
	[tilespmem:$0x14EA0] =	vst v63  }
0x37: {  	_ =	swait.ge [sflag:s20], $0x1400  }
0x38: {  	[sflag:s20] =	ssyncset.done $0x0  }
0x39: {  	s14 =	rddreg [dreg:$0xb];
	[sflag:s20] =	ssyncadd.s32 $0xFFFFEC00  }
0x3a: {  	[spmem:s14] =	stream.linear.scatter [tilespmem:s19], [sflag:$0xB], $0x1080, $0x38;
	[tilespmem:$0x14EA0] =	vst v63  }
0x3b: {  	_ =	swait.ge [sflag:s20], $0x1080  }
0x3c: {  	[sflag:s20] =	ssyncset.done $0x0  }
0x3d: {  	s13 =	rddreg [dreg:$0xc];
	[sflag:s20] =	ssyncadd.s32 $0xFFFFEF80  }
0x3e: {  	[tilespmem:s21], [sflag:$0xB] =	stream.linear.gather [hbm4b:s13+s4], $0x2710, $0x38;
	[tilespmem:$0x14EA0] =	vst v63  }
0x3f: {  	_ =	swait.ge [sflag:s20], $0x2710  }
0x40: {  	[sflag:s20] =	ssyncset.done $0x0  }
0x41: {  	[sflag:s20] =	ssyncadd.s32 $0xFFFFD8F0  }
0x42: {  	[tilespmem:s22], [sflag:$0xB] =	stream.linear.gather [hbm4b:s15+s4], $0x2710, $0x38;
	[tilespmem:$0x14EA0] =	vst v63  }
0x43: {  	_ =	swait.ge [sflag:s20], $0x2710  }
0x44: {  	[sflag:s20] =	ssyncset.done $0x0  }
0x45: {  	[sflag:s20] =	ssyncadd.s32 $0xFFFFD8F0  }
0x46: {  	[bflag:$0x0] =	sbarrier.arrive $0xFFFF  }
0x47: {  	[tilespmem:s19], [sflag:$0x1] =	stream.indirect.gather [hbm4b:s1+s23], $0x40, s21, s23, $0xb8;
	[tilespmem:$0x14EA0] =	vst v63  }
0x48: {  	s14 =	simm.s32 $0x9CD0  }
0x49: {  	[tilespmem:s25], [sflag:$0x2] =	stream.indirect.gather [hbm4b:s1+s23], $0x40, s14, s23, $0xb8;
	[tilespmem:$0x14EA0] =	vst v63  }
0x4a: {  	s13 =	simm.s32 $0x9D20  }
0x4b: {  	[tilespmem:s28], [sflag:$0x3] =	stream.indirect.gather [hbm4b:s1+s23], $0x40, s13, s23, $0xb8;
	[tilespmem:$0x14EA0] =	vst v63  }
0x4c: {  	_ =	swait.ge [sflag:s29], $0x1400  }
0x4d: {  	[sflag:s29] =	ssyncset.done $0x0  }
0x4e: {  	[sflag:s29] =	ssyncadd.s32 $0xFFFFEC00  }
0x4f: {  	[spmem:s3] =	stream.indirect.scatter.add.f32 [tilespmem:s19], [sflag:$0x6], $0x40, s22, s23, $0xb8;
	[tilespmem:$0x14EA0] =	vst v63  }
0x50: {  	s14 =	simm.s32 $0x9D70  }
0x51: {  	[tilespmem:s31], [sflag:$0x4] =	stream.indirect.gather [hbm4b:s1+s23], $0x40, s14, s23, $0xb8;
	[tilespmem:$0x14EA0] =	vst v63  }
0x52: {  	_ =	swait.ge [sflag:s2], $0x1400  }
0x53: {  	[sflag:s2] =	ssyncset.done $0x0  }
0x54: {  	s13 =	simm.s32 $0xC3E0;
	[sflag:s2] =	ssyncadd.s32 $0xFFFFEC00  }
0x55: {  	[spmem:s3] =	stream.indirect.scatter.add.f32 [tilespmem:s25], [sflag:$0x7], $0x40, s13, s23, $0xb8;
	[tilespmem:$0x14EA0] =	vst v63  }
0x56: {  	s14 =	simm.s32 $0x9DC0  }
0x57: {  	[tilespmem:s26], [sflag:$0x5] =	stream.indirect.gather [hbm4b:s1+s23], $0x40, s14, s23, $0xb8;
	[tilespmem:$0x14EA0] =	vst v63  }
0x58: {  	_ =	swait.ge [sflag:s30], $0x1400  }
0x59: {  	[sflag:s30] =	ssyncset.done $0x0  }
0x5a: {  	s13 =	simm.s32 $0xC430;
	[sflag:s30] =	ssyncadd.s32 $0xFFFFEC00  }
0x5b: {  	[spmem:s3] =	stream.indirect.scatter.add.f32 [tilespmem:s28], [sflag:$0x8], $0x40, s13, s23, $0xb8;
	[tilespmem:$0x14EA0] =	vst v63  }
0x5c: {  	_ =	swait.ge [sflag:s24], $0x1400  }
0x5d: {  	[sflag:s24] =	ssyncset.done $0x0  }
0x5e: {  	s14 =	simm.s32 $0x9E10;
	[sflag:s24] =	ssyncadd.s32 $0xFFFFEC00  }
0x5f: {  	[tilespmem:s19], [sflag:$0x1] =	stream.indirect.gather [hbm4b:s1+s23], $0x40, s14, s23, $0xb8;
	[tilespmem:$0x14EA0] =	vst v63  }
0x60: {  	_ =	swait.ge [sflag:s0], $0x1400  }
0x61: {  	[sflag:s0] =	ssyncset.done $0x0  }
0x62: {  	s13 =	simm.s32 $0xC480;
	[sflag:s0] =	ssyncadd.s32 $0xFFFFEC00  }
0x63: {  	[spmem:s3] =	stream.indirect.scatter.add.f32 [tilespmem:s31], [sflag:$0x9], $0x40, s13, s23, $0xb8;
	[tilespmem:$0x14EA0] =	vst v63  }
0x64: {  	_ =	swait.ge [sflag:s5], $0x1400  }
0x65: {  	[sflag:s5] =	ssyncset.done $0x0  }
0x66: {  	s14 =	simm.s32 $0x9E60;
	[sflag:s5] =	ssyncadd.s32 $0xFFFFEC00  }
0x67: {  	[tilespmem:s25], [sflag:$0x2] =	stream.indirect.gather [hbm4b:s1+s23], $0x40, s14, s23, $0xb8;
	[tilespmem:$0x14EA0] =	vst v63  }
0x68: {  	_ =	swait.ge [sflag:s7], $0x1400  }
0x69: {  	[sflag:s7] =	ssyncset.done $0x0  }
0x6a: {  	s13 =	simm.s32 $0xC4D0;
	[sflag:s7] =	ssyncadd.s32 $0xFFFFEC00  }
0x6b: {  	[spmem:s3] =	stream.indirect.scatter.add.f32 [tilespmem:s26], [sflag:$0xA], $0x40, s13, s23, $0xb8;
	[tilespmem:$0x14EA0] =	vst v63  }
0x6c: {  	_ =	swait.ge [sflag:s8], $0x1400  }
0x6d: {  	[sflag:s8] =	ssyncset.done $0x0  }
0x6e: {  	s14 =	simm.s32 $0x9EB0;
	[sflag:s8] =	ssyncadd.s32 $0xFFFFEC00  }
0x6f: {  	[tilespmem:s28], [sflag:$0x3] =	stream.indirect.gather [hbm4b:s1+s23], $0x40, s14, s23, $0xb8;
	[tilespmem:$0x14EA0] =	vst v63  }
0x70: {  	_ =	swait.ge [sflag:s29], $0x1400  }
0x71: {  	[sflag:s29] =	ssyncset.done $0x0  }
0x72: {  	s13 =	simm.s32 $0xC520;
	[sflag:s29] =	ssyncadd.s32 $0xFFFFEC00  }
0x73: {  	[spmem:s3] =	stream.indirect.scatter.add.f32 [tilespmem:s19], [sflag:$0x6], $0x40, s13, s23, $0xb8;
	[tilespmem:$0x14EA0] =	vst v63  }
0x74: {  	_ =	swait.ge [sflag:s9], $0x1400  }
0x75: {  	[sflag:s9] =	ssyncset.done $0x0  }
0x76: {  	s14 =	simm.s32 $0x9F00;
	[sflag:s9] =	ssyncadd.s32 $0xFFFFEC00  }
0x77: {  	[tilespmem:s31], [sflag:$0x4] =	stream.indirect.gather [hbm4b:s1+s23], $0x40, s14, s23, $0xb8;
	[tilespmem:$0x14EA0] =	vst v63  }
0x78: {  	_ =	swait.ge [sflag:s2], $0x1400  }
0x79: {  	[sflag:s2] =	ssyncset.done $0x0  }
0x7a: {  	s13 =	simm.s32 $0xC570;
	[sflag:s2] =	ssyncadd.s32 $0xFFFFEC00  }
0x7b: {  	[spmem:s3] =	stream.indirect.scatter.add.f32 [tilespmem:s25], [sflag:$0x7], $0x40, s13, s23, $0xb8;
	[tilespmem:$0x14EA0] =	vst v63  }
0x7c: {  	_ =	swait.ge [sflag:s10], $0x1400  }
0x7d: {  	[sflag:s10] =	ssyncset.done $0x0  }
0x7e: {  	s14 =	simm.s32 $0x9F50;
	[sflag:s10] =	ssyncadd.s32 $0xFFFFEC00  }
0x7f: {  	[tilespmem:s26], [sflag:$0x5] =	stream.indirect.gather [hbm4b:s1+s23], $0x40, s14, s23, $0xb8;
	[tilespmem:$0x14EA0] =	vst v63  }
0x80: {  	_ =	swait.ge [sflag:s30], $0x1400  }
0x81: {  	[sflag:s30] =	ssyncset.done $0x0  }
0x82: {  	s12 =	simm.s32 $0x640;
	s13 =	simm.s32 $0xC5C0;
	[sflag:s30] =	ssyncadd.s32 $0xFFFFEC00  }
.LBB2_2:
0x83: {  	[spmem:s3] =	stream.indirect.scatter.add.f32 [tilespmem:s28], [sflag:$0x8], $0x40, s13, s23, $0xb8;
	[tilespmem:$0x14EA0] =	vst v63  }
0x84: {  	s13 =	smov.u32 s12  }
0x85: {  	p1 =	sne.s32 s12, $0x8FC0;
	s12 =	sadd.s32 $0x640, s12;
	_ =	swait.ge [sflag:s24], $0x1400  }
0x86: {  	s13 =	sshra.s32 s13, $0x2;
	[sflag:s24] =	ssyncset.done $0x0  }
0x87: {  	s14 =	sadd.s32 $0x9E10, s13;
	[sflag:s24] =	ssyncadd.s32 $0xFFFFEC00  }
0x88: {  	[tilespmem:s19], [sflag:$0x1] =	stream.indirect.gather [hbm4b:s1+s23], $0x40, s14, s23, $0xb8;
	[tilespmem:$0x14EA0] =	vst v63  }
0x89: {  	_ =	swait.ge [sflag:s0], $0x1400  }
0x8a: {  	[sflag:s0] =	ssyncset.done $0x0  }
0x8b: {  	s14 =	sadd.s32 $0xC480, s13;
	[sflag:s0] =	ssyncadd.s32 $0xFFFFEC00  }
0x8c: {  	[spmem:s3] =	stream.indirect.scatter.add.f32 [tilespmem:s31], [sflag:$0x9], $0x40, s14, s23, $0xb8;
	[tilespmem:$0x14EA0] =	vst v63  }
0x8d: {  	_ =	swait.ge [sflag:s5], $0x1400  }
0x8e: {  	[sflag:s5] =	ssyncset.done $0x0  }
0x8f: {  	s14 =	sadd.s32 $0x9E60, s13;
	[sflag:s5] =	ssyncadd.s32 $0xFFFFEC00  }
0x90: {  	[tilespmem:s25], [sflag:$0x2] =	stream.indirect.gather [hbm4b:s1+s23], $0x40, s14, s23, $0xb8;
	[tilespmem:$0x14EA0] =	vst v63  }
0x91: {  	_ =	swait.ge [sflag:s7], $0x1400  }
0x92: {  	[sflag:s7] =	ssyncset.done $0x0  }
0x93: {  	s14 =	sadd.s32 $0xC4D0, s13;
	[sflag:s7] =	ssyncadd.s32 $0xFFFFEC00  }
0x94: {  	[spmem:s3] =	stream.indirect.scatter.add.f32 [tilespmem:s26], [sflag:$0xA], $0x40, s14, s23, $0xb8;
	[tilespmem:$0x14EA0] =	vst v63  }
0x95: {  	_ =	swait.ge [sflag:s8], $0x1400  }
0x96: {  	[sflag:s8] =	ssyncset.done $0x0  }
0x97: {  	s14 =	sadd.s32 $0x9EB0, s13;
	[sflag:s8] =	ssyncadd.s32 $0xFFFFEC00  }
0x98: {  	[tilespmem:s28], [sflag:$0x3] =	stream.indirect.gather [hbm4b:s1+s23], $0x40, s14, s23, $0xb8;
	[tilespmem:$0x14EA0] =	vst v63  }
0x99: {  	_ =	swait.ge [sflag:s29], $0x1400  }
0x9a: {  	[sflag:s29] =	ssyncset.done $0x0  }
0x9b: {  	s14 =	sadd.s32 $0xC520, s13;
	[sflag:s29] =	ssyncadd.s32 $0xFFFFEC00  }
0x9c: {  	[spmem:s3] =	stream.indirect.scatter.add.f32 [tilespmem:s19], [sflag:$0x6], $0x40, s14, s23, $0xb8;
	[tilespmem:$0x14EA0] =	vst v63  }
0x9d: {  	_ =	swait.ge [sflag:s9], $0x1400  }
0x9e: {  	[sflag:s9] =	ssyncset.done $0x0  }
0x9f: {  	s14 =	sadd.s32 $0x9F00, s13;
	[sflag:s9] =	ssyncadd.s32 $0xFFFFEC00  }
0xa0: {  	[tilespmem:s31], [sflag:$0x4] =	stream.indirect.gather [hbm4b:s1+s23], $0x40, s14, s23, $0xb8;
	[tilespmem:$0x14EA0] =	vst v63  }
0xa1: {  	_ =	swait.ge [sflag:s2], $0x1400  }
0xa2: {  	[sflag:s2] =	ssyncset.done $0x0  }
0xa3: {  	s14 =	sadd.s32 $0xC570, s13;
	[sflag:s2] =	ssyncadd.s32 $0xFFFFEC00  }
0xa4: {  	[spmem:s3] =	stream.indirect.scatter.add.f32 [tilespmem:s25], [sflag:$0x7], $0x40, s14, s23, $0xb8;
	[tilespmem:$0x14EA0] =	vst v63  }
0xa5: {  	_ =	swait.ge [sflag:s10], $0x1400  }
0xa6: {  	[sflag:s10] =	ssyncset.done $0x0  }
.Ltmp0:
0xa7: {  	s14 =	sadd.s32 $0x9F50, s13;
	[sflag:s10] =	ssyncadd.s32 $0xFFFFEC00;
	(pc) =	sbr.rel @p1 .LBB2_2-.Ltmp0, $4  }
0xa8: {  	[tilespmem:s26], [sflag:$0x5] =	stream.indirect.gather [hbm4b:s1+s23], $0x40, s14, s23, $0xb8;
	[tilespmem:$0x14EA0] =	vst v63  }
0xa9: {  	_ =	swait.ge [sflag:s30], $0x1400  }
0xaa: {  	[sflag:s30] =	ssyncset.done $0x0  }
0xab: {  	s13 =	sadd.s32 $0xC5C0, s13;
	[sflag:s30] =	ssyncadd.s32 $0xFFFFEC00  }
0xac: {  	[spmem:s3] =	stream.indirect.scatter.add.f32 [tilespmem:s28], [sflag:$0x8], $0x40, s13, s23, $0xb8;
	[tilespmem:$0x14EA0] =	vst v63  }
0xad: {  	_ =	swait.ge [sflag:s0], $0x1400  }
0xae: {  	[sflag:s0] =	ssyncset.done $0x0  }
0xaf: {  	s12 =	simm.s32 $0xEA00;
	[sflag:s0] =	ssyncadd.s32 $0xFFFFEC00  }
0xb0: {  	[spmem:s3] =	stream.indirect.scatter.add.f32 [tilespmem:s31], [sflag:$0x9], $0x40, s12, s23, $0xb8;
	[tilespmem:$0x14EA0] =	vst v63  }
0xb1: {  	_ =	swait.ge [sflag:s7], $0x1400  }
0xb2: {  	[sflag:s7] =	ssyncset.done $0x0  }
0xb3: {  	s14 =	simm.s32 $0xEA50;
	[sflag:s7] =	ssyncadd.s32 $0xFFFFEC00  }
0xb4: {  	[spmem:s3] =	stream.indirect.scatter.add.f32 [tilespmem:s26], [sflag:$0xA], $0x40, s14, s23, $0xb8;
	[tilespmem:$0x14EA0] =	vst v63  }
0xb5: {  	_ =	swait.ge [sflag:s24], $0x1400  }
0xb6: {  	[sflag:s24] =	ssyncset.done $0x0  }
0xb7: {  	[sflag:s24] =	ssyncadd.s32 $0xFFFFEC00  }
0xb8: {  	_ =	swait.ge [sflag:s5], $0x1400  }
0xb9: {  	[sflag:s5] =	ssyncset.done $0x0  }
0xba: {  	[sflag:s5] =	ssyncadd.s32 $0xFFFFEC00  }
0xbb: {  	_ =	swait.ge [sflag:s8], $0x1400  }
0xbc: {  	[sflag:s8] =	ssyncset.done $0x0  }
0xbd: {  	[sflag:s8] =	ssyncadd.s32 $0xFFFFEC00  }
0xbe: {  	_ =	swait.ge [sflag:s9], $0x1400  }
0xbf: {  	[sflag:s9] =	ssyncset.done $0x0  }
0xc0: {  	[sflag:s9] =	ssyncadd.s32 $0xFFFFEC00  }
0xc1: {  	_ =	swait.ge [sflag:s10], $0x1400  }
0xc2: {  	[sflag:s10] =	ssyncset.done $0x0  }
0xc3: {  	[sflag:s10] =	ssyncadd.s32 $0xFFFFEC00  }
0xc4: {  	s13 =	simm.s32 @p0 $0x1FCB;
	s12 =	sshrl.u32 @p0 s6, $0x3;
	[bflag:$0x0] =	sbarrier.arrive $0xFFFF  }
0xc5: {  	[hbm:s17], [sflag:s13] =	dma.local @p0 [spmem:s12], $0x1310  }
0xc6: {  	s12 =	simm.s32 @p0 $0xB  }
0xc7: {  	s11 =	sadd.s32 $0x1, s11;
	s13 =	stileid.u32;
	_ =	swait.ge @p0 [sflag:s12], $0x1310  }
0xc8: {  	p1 =	sne.s32 s11, s18;
	s13 =	sshll.u32 @!p0 s13, $0x6;
	[sflag:s12] =	ssyncset.done @p0 $0x0  }
0xc9: {  	[sflag:s12] =	ssyncadd.s32 @p0 $0xFFFFECF0;
	s12 =	sor.u32 @!p0 $0x1C0B, s13;
	s13 =	sshrl.u32 @!p0 s6, $0x3  }
0xca: {  	[hbm:s16], [sflag:s12] =	dma.local @!p0 [spmem:s13], $0x1390  }
.Ltmp1:
0xcb: {  	_ = 	snop;
	(pc) =	sbr.rel @p1 .LBB2_1-.Ltmp1, $4  }
0xcc: {  	s12 =	simm.s32 @!p0 $0xB  }
0xcd: {  	_ =	swait.ge @!p0 [sflag:s12], $0x1390  }
0xce: {  	[sflag:s12] =	ssyncset.done @!p0 $0x0  }
0xcf: {  	[sflag:s12] =	ssyncadd.s32 @!p0 $0xFFFFEC70  }
0xd0: {  	_ =	sfence.sel $0x180000  }
0xd1: {  	[bflag:$0x0] =	sbarrier.arrive $0xFFFF  }
0xd2: {  	_ =	strace $0x9000004A  }
0xd3: {  	s0 =	stileid.u32;
	[bflag:$0x2] =	sbarrier.arrive $0xFFFF  }
0xd4: {  	p0 =	sne.s32 s0, $0x0;
	s0 =	rddreg [dreg:$0x3]  }
0xd5: {  	s0 =	sadd.s32 @!p0 $0x100000, s0  }
0xd6: {  	[sflag:s0] =	ssyncadd.tile.s32 @!p0 $0x1;
	_ =	shalt  }
.Lfunc_end2:
_tile_overlayer_lowered:
.L_overlay_start_2:
0xd7: {  	(tag) =	ssettag $0x2  }
0xd8: {  	s0 =	rddreg [dreg:$0x0];
	s2 =	stileid.u32  }
0xd9: {  	s1 =	rddreg [dreg:$0x1];
	p0 =	sne.s32 s2, $0x0  }
0xda: {  	s3 =	rddreg [dreg:$0x2];
	[bflag:$0x3] =	sbarrier.arrive $0xFFFF;
	s2 =	simm.s32 @!p0 $0x1C0B  }
0xdb: {  	[timem:s3], [sflag:s2] =	dma.local @!p0 [hbm:s0], s1  }
0xdc: {  	s0 =	simm.s32 @!p0 $0xB  }
0xdd: {  	_ =	swait.ge @!p0 [sflag:s0], s1  }
0xde: {  	s1 =	ssub.s32 @!p0 $0x0, s1;
	[sflag:s0] =	ssyncset.done @!p0 $0x0  }
0xdf: {  	[sflag:s0] =	ssyncadd.s32 @!p0 s1  }
0xe0: {  	[bflag:$0x3] =	sbarrier.arrive $0xFFFF  }
0xe1: {  	_ =	shalt  }

// kernel: kernel.7.cloned.1.call-start
scs
__scs_entry_jumppad:
0x0: {  	(pc) =	sbr.rel $0x88, $3  }
0x1: {  	(tag) =	ssettag $0x0;
	lr =	simm.s32 $0x1  }
0x2: {  	[smem:$0x3F93] =	sst lr;
	_ =	strace $0xD0000000  }
0x3: {  	_ = 	snop  }
0x4: {  	_ = 	snop  }
0x5: {  	_ = 	snop  }
0x6: {  	_ = 	snop  }
0x7: {  	_ = 	snop  }
__scs_overlays_trampoline_lowered:
0x8: {  	[smem:$0x3FA2] =	sst s0  }
0x9: {  	[smem:$0x3FA3] =	sst s1  }
0xa: {  	[smem:$0x3FA4] =	sst s2  }
0xb: {  	[smem:$0x3FA5] =	sst s3  }
0xc: {  	[smem:$0x3FA6] =	sst s4  }
0xd: {  	[smem:$0x3FA7] =	sst s5  }
0xe: {  	[smem:$0x3FA8] =	sst s6  }
0xf: {  	[smem:$0x3FA9] =	sst s7  }
0x10: {  	[smem:$0x3FAA] =	sst s8  }
0x11: {  	[smem:$0x3FAB] =	sst s9;
	s0 =	simm.s32 @!p0 $0x0  }
0x12: {  	s1 =	sld [smem:$0x3F91];
	s0 =	simm.s32 @p0 $0x1  }
0x13: {  	[smem:$0x3FAC] =	sst s0;
	s0 =	simm.s32 @!p1 $0x0  }
0x14: {  	s2 =	sld [smem:$0x3F90];
	s0 =	simm.s32 @p1 $0x1  }
0x15: {  	[smem:$0x3FAD] =	sst s0;
	s0 =	simm.s32 @!p2 $0x0  }
0x16: {  	s3 =	sld [smem:$0x3FDB];
	s0 =	simm.s32 @p2 $0x1  }
0x17: {  	s4 =	simm.s32 $0x1BF5;
	[smem:$0x3FAF] =	sst s0  }
0x18: {  	s0 =	sld [smem:$0x3F92];
	_ =	swait.ge [sflag:s4], $0x0  }
0x19: {  	s7 =	sld [smem:$0x3F93]  }
0x1a: {  	s8 =	sadd.s32 $0xFFFFE003, lr  }
0x1b: {  	s9 =	sadd.s32 $0xFFFFFEF7, lr;
	s5 =	simm.s32 $0xFFFFFFFF;
	p2 =	slt.u32 s8, $0xFFFFF086  }
0x1c: {  	p1 =	slt.u32 s9, $0xF7A;
	s5 =	simm.s32 @!p2 $0x0  }
0x1d: {  	s5 =	simm.s32 @p1 $0x1;
	p0 =	seq.s32 s7, s2  }
0x1e: {  	s7 =	smul.u32 @!p0 $0xF7A, s2;
	p2 =	seq.s32 @!p0 s5, $0x0  }
0x1f: {  	s9 =	smul.u32 $0xF7A, s1;
	s8 =	simm.s32 @!p0 $0x1BF5;
	p2 =	por !p2, p0  }
0x20: {  	[sflag:s8] =	ssyncset.s32 @!p0 $0xFFFFF086;
	s6 =	sadd.s32 @!p0 s3, s7;
	s7 =	simm.s32 @!p0 $0x108  }
0x21: {  	s3 =	sadd.s32 s3, s9;
	s6 =	sadd.s32 @!p0 $0x88, s6;
	s7 =	simm.s32 @p2 $0x1082  }
0x22: {  	[simem:s7], [sflag:s8] =	dma.local @!p0 [hbm:s6], $0xF7A  }
0x23: {  	s9 =	sor.u32 $0xD0000000, s2;
	s6 =	simm.s32 $0x108;
	_ =	swait.ge @!p0 [sflag:s8], $0x0  }
0x24: {  	s3 =	sadd.s32 $0x88, s3;
	s6 =	simm.s32 @!p1 $0x1082;
	[sflag:s4] =	ssyncset.s32 $0xFFFFF086  }
0x25: {  	[simem:s6], [sflag:s4] =	dma.local [hbm:s3], $0xF7A  }
0x26: {  	[smem:$0x3F93] =	sst s1;
	(tag) =	ssettag s2;
	_ =	strace s9  }
0x27: {  	s1 =	sld [smem:$0x3FA3]  }
0x28: {  	s2 =	sld [smem:$0x3FA4]  }
0x29: {  	s4 =	sld [smem:$0x3FA6]  }
0x2a: {  	p0 =	seq.s32 s5, $0x0;
	s5 =	sld [smem:$0x3FA7]  }
0x2b: {  	s6 =	sld [smem:$0x3FA8]  }
0x2c: {  	s7 =	sld [smem:$0x3FA9]  }
0x2d: {  	s3 =	simm.s32 $0x108;
	s8 =	sld [smem:$0x3FAA]  }
0x2e: {  	s3 =	simm.s32 @!p0 $0x1082;
	s9 =	sld [smem:$0x3FAB]  }
0x2f: {  	lr =	sadd.s32 s0, s3;
	s0 =	sld [smem:$0x3FA2]  }
0x30: {  	s3 =	sld [smem:$0x3FA5]  }
0x31: {  	[smem:$0x3FAE] =	sst s10  }
0x32: {  	s10 =	sld [smem:$0x3FAC];
	_ =	sdelay $0x3  }
0x33: {  	p0 =	seq.s32 s10, $0x1;
	s10 =	sld [smem:$0x3FAE];
	_ =	sdelay $0x3  }
0x34: {  	[smem:$0x3FAE] =	sst s10  }
0x35: {  	s10 =	sld [smem:$0x3FAD];
	_ =	sdelay $0x3  }
0x36: {  	p1 =	seq.s32 s10, $0x1;
	s10 =	sld [smem:$0x3FAE];
	_ =	sdelay $0x3  }
0x37: {  	[smem:$0x3FAE] =	sst s10  }
0x38: {  	s10 =	sld [smem:$0x3FAF]  }
0x39: {  	_ = 	snop;
	(pc) =	sbr.ind lr, $3  }
0x3a: {  	_ = 	snop  }
0x3b: {  	_ = 	snop  }
0x3c: {  	p2 =	seq.s32 s10, $0x1;
	s10 =	sld [smem:$0x3FAE]  }
0x3d: {  	_ =	shalt  }
0x3e: {  	_ =	shalt  }
0x3f: {  	_ =	shalt  }
0x40: {  	_ =	shalt  }
0x41: {  	_ =	shalt  }
0x42: {  	_ =	shalt  }
0x43: {  	_ =	shalt  }
0x44: {  	_ =	shalt  }
0x45: {  	_ =	shalt  }
0x46: {  	_ =	shalt  }
0x47: {  	_ =	shalt  }
0x48: {  	_ =	shalt  }
0x49: {  	_ =	shalt  }
0x4a: {  	_ =	shalt  }
0x4b: {  	_ =	shalt  }
0x4c: {  	_ =	shalt  }
0x4d: {  	_ =	shalt  }
0x4e: {  	_ =	shalt  }
0x4f: {  	_ =	shalt  }
0x50: {  	_ =	shalt  }
0x51: {  	_ =	shalt  }
0x52: {  	_ =	shalt  }
0x53: {  	_ =	shalt  }
0x54: {  	_ =	shalt  }
0x55: {  	_ =	shalt  }
0x56: {  	_ =	shalt  }
0x57: {  	_ =	shalt  }
0x58: {  	_ =	shalt  }
0x59: {  	_ =	shalt  }
0x5a: {  	_ =	shalt  }
0x5b: {  	_ =	shalt  }
0x5c: {  	_ =	shalt  }
0x5d: {  	_ =	shalt  }
0x5e: {  	_ =	shalt  }
0x5f: {  	_ =	shalt  }
0x60: {  	_ =	shalt  }
0x61: {  	_ =	shalt  }
0x62: {  	_ =	shalt  }
0x63: {  	_ =	shalt  }
0x64: {  	_ =	shalt  }
0x65: {  	_ =	shalt  }
0x66: {  	_ =	shalt  }
0x67: {  	_ =	shalt  }
0x68: {  	_ =	shalt  }
0x69: {  	_ =	shalt  }
0x6a: {  	_ =	shalt  }
0x6b: {  	_ =	shalt  }
0x6c: {  	_ =	shalt  }
0x6d: {  	_ =	shalt  }
0x6e: {  	_ =	shalt  }
0x6f: {  	_ =	shalt  }
0x70: {  	_ =	shalt  }
0x71: {  	_ =	shalt  }
0x72: {  	_ =	shalt  }
0x73: {  	_ =	shalt  }
0x74: {  	_ =	shalt  }
0x75: {  	_ =	shalt  }
0x76: {  	_ =	shalt  }
0x77: {  	_ =	shalt  }
0x78: {  	_ =	shalt  }
0x79: {  	_ =	shalt  }
0x7a: {  	_ =	shalt  }
0x7b: {  	_ =	shalt  }
0x7c: {  	_ =	shalt  }
0x7d: {  	_ =	shalt  }
0x7e: {  	_ =	shalt  }
0x7f: {  	_ =	shalt  }
0x80: {  	_ =	shalt  }
0x81: {  	_ =	shalt  }
0x82: {  	_ =	shalt  }
0x83: {  	_ =	shalt  }
0x84: {  	_ =	shalt  }
0x85: {  	_ =	shalt  }
0x86: {  	_ =	shalt  }
0x87: {  	_ =	shalt  }
.Lfunc_end0:
.L_simem_size_0:
called_computation_lowered:
.L_overlay_start_0:
0x88: {  	s2 =	sld [smem:$0x3FD9]  }
0x89: {  	s3 =	sld [smem:$0x3FFE];
	_ =	sdelay $0x1  }
0x8a: {  	s1 =	srdreg.scid  }
0x8b: {  	s0 =	sand.u32 $0x1, s1  }
0x8c: {  	s17 =	sshll.u32 s0, $0xA;
	s2 =	sadd.s32 s3, s2  }
0x8d: {  	s2 =	sadd.s32 s2, s17  }
0x8e: {  	[smem:$0x3FBA] =	sst s2  }
0x8f: {  	_ = 	snop  }
0x90: {  	s2 =	sld [smem:$0x3FD0];
	(tm) =	ssettm $0x1  }
0x91: {  	s18 =	sld [smem:$0x3FFB];
	_ =	sdelay $0x3  }
0x92: {  	_ =	strace s18  }
0x93: {  	s3 =	sld [smem:$0x3FFC];
	_ =	sdelay $0x3  }
0x94: {  	_ =	strace s3  }
0x95: {  	s3 =	sld [smem:$0x3FFD];
	_ =	sdelay $0x3  }
0x96: {  	_ =	strace s3  }
0x97: {  	_ =	strace $0x8FFFFFFF  }
0x98: {  	s19 =	sld [smem:$0x3FDB];
	_ =	sdelay $0x1  }
0x99: {  	s4 =	simm.s32 $_scs_section_size  }
0x9a: {  	s5 =	simm.s32 $_size__tile_overlayer_lowered;
	s6 =	simm.s32 $_tile_overlayer_lowered  }
0x9b: {  	s22 =	simm.s32 $0x1BFF;
	s21 =	sshll.u32 s6, $0x1;
	s3 =	sadd.s32 s4, s19  }
0x9c: {  	s7 =	simm.s32 $0x0;
	s20 =	sshll.u32 s5, $0x1;
	s5 =	sadd.s32 s21, s3  }
0x9d: {  	[timem:s7], [sflag:s22] =	dma.local [hbm:s5], s20  }
0x9e: {  	_ =	swait.ge [sflag:s22], s20  }
0x9f: {  	s4 =	ssub.s32 $0x0, s20;
	[sflag:s22] =	ssyncset.done $0x0  }
0xa0: {  	[sflag:s22] =	ssyncadd.s32 s4;
	_ =	sdelay $0x1  }
0xa1: {  	s23 =	simm.s32 $0x1B8B  }
0xa2: {  	_ =	swait.ge [sflag:s23], $0x1  }
0xa3: {  	[sflag:s23] =	ssyncset.done $0x0  }
0xa4: {  	s25 =	simm.s32 $0x1B8E;
	s24 =	sld [smem:$0x3FFE];
	[sflag:s23] =	ssyncadd.s32 $0xFFFFFFFF  }
0xa5: {  	s26 =	simm.s32 $execute0_lowered;
	[smem:$0x3FD2] =	sst s25  }
0xa6: {  	s5 =	sshll.u32 s26, $0x1;
	_ =	strace $0x80000046;
	[dreg:$0x1] =	wrdreg $0xFFFFFFFF  }
0xa7: {  	s28 =	simm.s32 $_size_execute0_lowered;
	s3 =	sadd.s32 s3, s5;
	[dreg:$0x0] =	wrdreg $0x0  }
0xa8: {  	s5 =	sshll.u32 s28, $0x1;
	[dreg:$0x2] =	wrdreg s3  }
0xa9: {  	[dreg:$0x3] =	wrdreg s5  }
0xaa: {  	[dreg:$0x4] =	wrdreg $0xC0  }
0xab: {  	_ =	task [dreg:s7], $0x5FFFF  }
0xac: {  	[dreg:$0x1] =	wrdreg $0xFFFFFFFF  }
0xad: {  	[dreg:$0x0] =	wrdreg $0x60  }
0xae: {  	[dreg:$0x2] =	wrdreg s24  }
0xaf: {  	[dreg:$0x3] =	wrdreg s2  }
0xb0: {  	[dreg:$0x4] =	wrdreg $0x0  }
0xb1: {  	[dreg:$0x5] =	wrdreg $0x9  }
0xb2: {  	_ =	task.clear_ibuf [dreg:s7], $0x6FFFF;
	_ =	strace $0x90000046  }
0xb3: {  	s29 =	simm.s32 $0x9;
	_ =	strace $0x80000048  }
0xb4: {  	_ =	swait.ge [sflag:s29], $0x1  }
0xb5: {  	[sflag:s29] =	ssyncadd.s32 $0xFFFFFFFF  }
0xb6: {  	_ =	strace $0x90000048  }
0xb7: {  	_ =	sfence  }
0xb8: {  	s30 =	sld [smem:$0x0];
	_ =	sdelay $0x2  }
0xb9: {  	s31 =	sshll.u32 s1, $0xD;
	s1 =	sshrl.u32 s1, $0x2  }
0xba: {  	s3 =	sand.u32 $0x4000, s31;
	s1 =	sadd.s32 s1, s30  }
0xbb: {  	s0 =	sor.u32 s3, s0;
	s1 =	sshll.u32 s1, $0x11  }
0xbc: {  	s0 =	sor.u32 s1, s0  }
0xbd: {  	s0 =	sadd.s32 $0x8F2B, s0  }
0xbe: {  	[sflag:s0] =	ssyncadd.remote.s32 $0x1  }
0xbf: {  	_ =	sfence.sel $0xFFFF  }
0xc0: {  	[dreg:$0x0] =	wrdreg $0xFFFFFFFF;
	(pc) =	sbr.abs _section_cstart, $3  }
0xc1: {  	[dreg:$0x1] =	wrdreg $0xFFFFFFFF  }
0xc2: {  	_ =	task.clear_ibuf [dreg:s7], $0x2FFFF;
	_ =	strace $0x9FFFFFFF  }
0xc3: {  	(tm) =	ssettm $0x7FFFFFFF  }
tec
execute0_lowered:
.L_overlay_start_1:
0x0: {  	(tag) =	ssettag $0x1  }
0x1: {  	s0 =	rddreg [dreg:$0x0];
	s1 =	srdreg.scid  }
0x2: {  	s24 =	stileid.u32;
	s3 =	rddreg [dreg:$0x2]  }
0x3: {  	s4 =	simm.s32 $0x0;
	s19 =	simm.s32 $0x18720;
	s20 =	simm.s32 $0x7  }
0x4: {  	s21 =	simm.s32 $0x13900;
	s22 =	simm.s32 $0x16010;
	s23 =	simm.s32 $0x50  }
0x5: {  	s28 =	simm.s32 $0x1D720;
	s29 =	simm.s32 $0x1;
	s30 =	simm.s32 $0x4  }
0x6: {  	s31 =	simm.s32 $0x2;
	s1 =	sand.u32 $0x1, s1;
	s2 =	sshll.u32 s24, $0x1  }
0x7: {  	[smem:$0x7FF] =	sst s4;
	s6 =	smul.u32 $0x4E400, s24;
	s5 =	sadd.s32 $0x15C00, s0  }
0x8: {  	s15 =	smul.u32 $0x2720, s24;
	p0 =	seq.s32 s24, $0xF;
	s24 =	simm.s32 $0x0  }
0x9: {  	s2 =	sor.u32 s1, s2;
	_ =	strace $0x80000047;
	s14 =	smul.u32 $0x138800, s1  }
0xa: {  	s7 =	ssub.s32 $0x2, s1;
	s1 =	smul.u32 $0x27100, s1;
	s6 =	sshrl.u32 s6, $0x2  }
0xb: {  	s2 =	smul.u32 $0x4E2, s2;
	s8 =	sshrl.u32 s7, $0x1;
	s6 =	sadd.s32 s6, s3  }
0xc: {  	s7 =	ssub.s32 s7, s8;
	s16 =	sshrl.u32 s14, $0x3;
	s1 =	sadd.s32 s15, s1  }
0xd: {  	s2 =	sadd.s32 s2, s0;
	s0 =	sadd.s32 $0x3CE00, s0;
	s25 =	sadd.s32 $0x2800, s6  }
0xe: {  	s26 =	sadd.s32 $0x5000, s6;
	s9 =	sadd.s32 $0x7800, s6;
	s10 =	sadd.s32 $0xA000, s6  }
0xf: {  	s11 =	sadd.s32 $0xC800, s6;
	s12 =	sadd.s32 $0xF000, s6;
	[dreg:$0x4] =	wrdreg s25  }
0x10: {  	s13 =	sadd.s32 $0x11800, s6;
	s18 =	smax.u32 s7, $0x1;
	[dreg:$0x5] =	wrdreg s26  }
0x11: {  	s14 =	sadd.s32 $0xBE00, s2;
	s17 =	sadd.s32 s0, s16;
	s15 =	sadd.s32 $0x2000, s2  }
0x12: {  	s16 =	sadd.s32 s0, s1;
	s25 =	simm.s32 $0x1AF20;
	s1 =	simm.s32 $0x5  }
0x13: {  	s2 =	simm.s32 $0x3;
	s0 =	simm.s32 $0x6;
	s17 =	sadd.s32 $0x24AE0, s17  }
.LBB2_1:
0x14: {  	s7 =	rddreg [dreg:$0x1]  }
0x15: {  	[tilespmem:s19], [sflag:$0x7] =	stream.linear.gather [hbm4b:s7+s4], $0x2800, $0x38;
	[tilespmem:$0x1FF20] =	vst v63  }
0x16: {  	_ =	swait.ge [sflag:s20], $0x2800  }
0x17: {  	[sflag:s20] =	ssyncset.done $0x0  }
0x18: {  	[sflag:s20] =	ssyncadd.s32 $0xFFFFD800  }
0x19: {  	[spmem:s6] =	stream.linear.scatter [tilespmem:s19], [sflag:$0x7], $0x2800, $0x38;
	[tilespmem:$0x1FF20] =	vst v63  }
0x1a: {  	_ =	swait.ge [sflag:s20], $0x2800  }
0x1b: {  	[sflag:s20] =	ssyncset.done $0x0  }
0x1c: {  	s26 =	rddreg [dreg:$0x4];
	[sflag:s20] =	ssyncadd.s32 $0xFFFFD800  }
0x1d: {  	[spmem:s26] =	stream.linear.scatter [tilespmem:s19], [sflag:$0x7], $0x2800, $0x38;
	[tilespmem:$0x1FF20] =	vst v63  }
0x1e: {  	_ =	swait.ge [sflag:s20], $0x2800  }
0x1f: {  	[sflag:s20] =	ssyncset.done $0x0  }
0x20: {  	s8 =	rddreg [dreg:$0x5];
	[sflag:s20] =	ssyncadd.s32 $0xFFFFD800  }
0x21: {  	[spmem:s8] =	stream.linear.scatter [tilespmem:s19], [sflag:$0x7], $0x2800, $0x38;
	[tilespmem:$0x1FF20] =	vst v63  }
0x22: {  	_ =	swait.ge [sflag:s20], $0x2800  }
0x23: {  	[sflag:s20] =	ssyncset.done $0x0  }
0x24: {  	[sflag:s20] =	ssyncadd.s32 $0xFFFFD800  }
0x25: {  	[spmem:s9] =	stream.linear.scatter [tilespmem:s19], [sflag:$0x7], $0x2800, $0x38;
	[tilespmem:$0x1FF20] =	vst v63  }
0x26: {  	_ =	swait.ge [sflag:s20], $0x2800  }
0x27: {  	[sflag:s20] =	ssyncset.done $0x0  }
0x28: {  	[sflag:s20] =	ssyncadd.s32 $0xFFFFD800  }
0x29: {  	[spmem:s10] =	stream.linear.scatter [tilespmem:s19], [sflag:$0x7], $0x2800, $0x38;
	[tilespmem:$0x1FF20] =	vst v63  }
0x2a: {  	_ =	swait.ge [sflag:s20], $0x2800  }
0x2b: {  	[sflag:s20] =	ssyncset.done $0x0  }
0x2c: {  	[sflag:s20] =	ssyncadd.s32 $0xFFFFD800  }
0x2d: {  	[spmem:s11] =	stream.linear.scatter [tilespmem:s19], [sflag:$0x7], $0x2800, $0x38;
	[tilespmem:$0x1FF20] =	vst v63  }
0x2e: {  	_ =	swait.ge [sflag:s20], $0x2800  }
0x2f: {  	[sflag:s20] =	ssyncset.done $0x0  }
0x30: {  	[sflag:s20] =	ssyncadd.s32 $0xFFFFD800  }
0x31: {  	[spmem:s12] =	stream.linear.scatter [tilespmem:s19], [sflag:$0x7], $0x2800, $0x38;
	[tilespmem:$0x1FF20] =	vst v63  }
0x32: {  	_ =	swait.ge [sflag:s20], $0x2800  }
0x33: {  	[sflag:s20] =	ssyncset.done $0x0  }
0x34: {  	[sflag:s20] =	ssyncadd.s32 $0xFFFFD800  }
0x35: {  	[spmem:s13] =	stream.linear.scatter [tilespmem:s19], [sflag:$0x7], $0x2100, $0x38;
	[tilespmem:$0x1FF20] =	vst v63  }
0x36: {  	_ =	swait.ge [sflag:s20], $0x2100  }
0x37: {  	[sflag:s20] =	ssyncset.done $0x0  }
0x38: {  	[sflag:s20] =	ssyncadd.s32 $0xFFFFDF00  }
0x39: {  	[tilespmem:s21], [sflag:$0x7] =	stream.linear.gather [hbm4b:s14+s4], $0x2710, $0x38;
	[tilespmem:$0x1FF20] =	vst v63  }
0x3a: {  	_ =	swait.ge [sflag:s20], $0x2710  }
0x3b: {  	[sflag:s20] =	ssyncset.done $0x0  }
0x3c: {  	[sflag:s20] =	ssyncadd.s32 $0xFFFFD8F0  }
0x3d: {  	[tilespmem:s22], [sflag:$0x7] =	stream.linear.gather [hbm4b:s15+s4], $0x2710, $0x38;
	[tilespmem:$0x1FF20] =	vst v63  }
0x3e: {  	_ =	swait.ge [sflag:s20], $0x2710  }
0x3f: {  	[sflag:s20] =	ssyncset.done $0x0  }
0x40: {  	[sflag:s20] =	ssyncadd.s32 $0xFFFFD8F0  }
0x41: {  	[bflag:$0x0] =	sbarrier.arrive $0xFFFF  }
0x42: {  	[tilespmem:s19], [sflag:$0x1] =	stream.indirect.gather [hbm4b:s5+s23], $0x80, s21, s23, $0xb8;
	[tilespmem:$0x1FF20] =	vst v63  }
0x43: {  	s26 =	simm.s32 $0x13950  }
0x44: {  	[tilespmem:s25], [sflag:$0x2] =	stream.indirect.gather [hbm4b:s5+s23], $0x80, s26, s23, $0xb8;
	[tilespmem:$0x1FF20] =	vst v63  }
0x45: {  	s8 =	simm.s32 $0x139A0  }
0x46: {  	[tilespmem:s28], [sflag:$0x3] =	stream.indirect.gather [hbm4b:s5+s23], $0x80, s8, s23, $0xb8;
	[tilespmem:$0x1FF20] =	vst v63  }
0x47: {  	_ =	swait.ge [sflag:s29], $0x2800  }
0x48: {  	[sflag:s29] =	ssyncset.done $0x0  }
0x49: {  	[sflag:s29] =	ssyncadd.s32 $0xFFFFD800  }
0x4a: {  	[spmem:s3] =	stream.indirect.scatter.add.f32 [tilespmem:s19], [sflag:$0x4], $0x80, s22, s23, $0xb8;
	[tilespmem:$0x1FF20] =	vst v63  }
0x4b: {  	_ =	swait.ge [sflag:s30], $0x2800  }
0x4c: {  	[sflag:s30] =	ssyncset.done $0x0  }
0x4d: {  	s26 =	simm.s32 $0x139F0;
	[sflag:s30] =	ssyncadd.s32 $0xFFFFD800  }
0x4e: {  	[tilespmem:s19], [sflag:$0x1] =	stream.indirect.gather [hbm4b:s5+s23], $0x80, s26, s23, $0xb8;
	[tilespmem:$0x1FF20] =	vst v63  }
0x4f: {  	_ =	swait.ge [sflag:s31], $0x2800  }
0x50: {  	[sflag:s31] =	ssyncset.done $0x0  }
0x51: {  	s8 =	simm.s32 $0x16060;
	[sflag:s31] =	ssyncadd.s32 $0xFFFFD800  }
0x52: {  	[spmem:s3] =	stream.indirect.scatter.add.f32 [tilespmem:s25], [sflag:$0x5], $0x80, s8, s23, $0xb8;
	[tilespmem:$0x1FF20] =	vst v63  }
0x53: {  	_ =	swait.ge [sflag:s1], $0x2800  }
0x54: {  	[sflag:s1] =	ssyncset.done $0x0  }
0x55: {  	s26 =	simm.s32 $0x13A40;
	[sflag:s1] =	ssyncadd.s32 $0xFFFFD800  }
0x56: {  	[tilespmem:s25], [sflag:$0x2] =	stream.indirect.gather [hbm4b:s5+s23], $0x80, s26, s23, $0xb8;
	[tilespmem:$0x1FF20] =	vst v63  }
0x57: {  	_ =	swait.ge [sflag:s2], $0x2800  }
0x58: {  	[sflag:s2] =	ssyncset.done $0x0  }
0x59: {  	s8 =	simm.s32 $0x160B0;
	[sflag:s2] =	ssyncadd.s32 $0xFFFFD800  }
0x5a: {  	[spmem:s3] =	stream.indirect.scatter.add.f32 [tilespmem:s28], [sflag:$0x6], $0x80, s8, s23, $0xb8;
	[tilespmem:$0x1FF20] =	vst v63  }
0x5b: {  	_ =	swait.ge [sflag:s0], $0x2800  }
0x5c: {  	[sflag:s0] =	ssyncset.done $0x0  }
0x5d: {  	s26 =	simm.s32 $0x13A90;
	[sflag:s0] =	ssyncadd.s32 $0xFFFFD800  }
0x5e: {  	[tilespmem:s28], [sflag:$0x3] =	stream.indirect.gather [hbm4b:s5+s23], $0x80, s26, s23, $0xb8;
	[tilespmem:$0x1FF20] =	vst v63  }
0x5f: {  	_ =	swait.ge [sflag:s29], $0x2800  }
0x60: {  	[sflag:s29] =	ssyncset.done $0x0  }
0x61: {  	s7 =	simm.s32 $0x16100;
	s26 =	simm.s32 $0x3C0;
	[sflag:s29] =	ssyncadd.s32 $0xFFFFD800  }
.LBB2_2:
0x62: {  	[spmem:s3] =	stream.indirect.scatter.add.f32 [tilespmem:s19], [sflag:$0x4], $0x80, s7, s23, $0xb8;
	[tilespmem:$0x1FF20] =	vst v63  }
0x63: {  	s7 =	smov.u32 s26  }
0x64: {  	p1 =	sne.s32 s26, $0x9240;
	s26 =	sadd.s32 $0x3C0, s26;
	_ =	swait.ge [sflag:s30], $0x2800  }
0x65: {  	s7 =	sshra.s32 s7, $0x2;
	[sflag:s30] =	ssyncset.done $0x0  }
0x66: {  	s8 =	sadd.s32 $0x139F0, s7;
	[sflag:s30] =	ssyncadd.s32 $0xFFFFD800  }
0x67: {  	[tilespmem:s19], [sflag:$0x1] =	stream.indirect.gather [hbm4b:s5+s23], $0x80, s8, s23, $0xb8;
	[tilespmem:$0x1FF20] =	vst v63  }
0x68: {  	_ =	swait.ge [sflag:s31], $0x2800  }
0x69: {  	[sflag:s31] =	ssyncset.done $0x0  }
0x6a: {  	s8 =	sadd.s32 $0x16060, s7;
	[sflag:s31] =	ssyncadd.s32 $0xFFFFD800  }
0x6b: {  	[spmem:s3] =	stream.indirect.scatter.add.f32 [tilespmem:s25], [sflag:$0x5], $0x80, s8, s23, $0xb8;
	[tilespmem:$0x1FF20] =	vst v63  }
0x6c: {  	_ =	swait.ge [sflag:s1], $0x2800  }
0x6d: {  	[sflag:s1] =	ssyncset.done $0x0  }
0x6e: {  	s8 =	sadd.s32 $0x13A40, s7;
	[sflag:s1] =	ssyncadd.s32 $0xFFFFD800  }
0x6f: {  	[tilespmem:s25], [sflag:$0x2] =	stream.indirect.gather [hbm4b:s5+s23], $0x80, s8, s23, $0xb8;
	[tilespmem:$0x1FF20] =	vst v63  }
0x70: {  	_ =	swait.ge [sflag:s2], $0x2800  }
0x71: {  	[sflag:s2] =	ssyncset.done $0x0  }
0x72: {  	s8 =	sadd.s32 $0x160B0, s7;
	[sflag:s2] =	ssyncadd.s32 $0xFFFFD800  }
0x73: {  	[spmem:s3] =	stream.indirect.scatter.add.f32 [tilespmem:s28], [sflag:$0x6], $0x80, s8, s23, $0xb8;
	[tilespmem:$0x1FF20] =	vst v63  }
0x74: {  	_ =	swait.ge [sflag:s0], $0x2800  }
0x75: {  	[sflag:s0] =	ssyncset.done $0x0  }
.Ltmp0:
0x76: {  	s8 =	sadd.s32 $0x13A90, s7;
	[sflag:s0] =	ssyncadd.s32 $0xFFFFD800;
	(pc) =	sbr.rel @p1 .LBB2_2-.Ltmp0, $4  }
0x77: {  	[tilespmem:s28], [sflag:$0x3] =	stream.indirect.gather [hbm4b:s5+s23], $0x80, s8, s23, $0xb8;
	[tilespmem:$0x1FF20] =	vst v63  }
0x78: {  	_ =	swait.ge [sflag:s29], $0x2800  }
0x79: {  	[sflag:s29] =	ssyncset.done $0x0  }
0x7a: {  	s7 =	sadd.s32 $0x16100, s7;
	[sflag:s29] =	ssyncadd.s32 $0xFFFFD800  }
0x7b: {  	[spmem:s3] =	stream.indirect.scatter.add.f32 [tilespmem:s19], [sflag:$0x4], $0x80, s7, s23, $0xb8;
	[tilespmem:$0x1FF20] =	vst v63  }
0x7c: {  	_ =	swait.ge [sflag:s30], $0x2800  }
0x7d: {  	[sflag:s30] =	ssyncset.done $0x0  }
0x7e: {  	s8 =	simm.s32 $0x15F70;
	[sflag:s30] =	ssyncadd.s32 $0xFFFFD800  }
0x7f: {  	[tilespmem:s19], [sflag:$0x1] =	stream.indirect.gather [hbm4b:s5+s23], $0x80, s8, s23, $0xb8;
	[tilespmem:$0x1FF20] =	vst v63  }
0x80: {  	_ =	swait.ge [sflag:s31], $0x2800  }
0x81: {  	[sflag:s31] =	ssyncset.done $0x0  }
0x82: {  	s26 =	simm.s32 $0x185E0;
	[sflag:s31] =	ssyncadd.s32 $0xFFFFD800  }
0x83: {  	[spmem:s3] =	stream.indirect.scatter.add.f32 [tilespmem:s25], [sflag:$0x5], $0x80, s26, s23, $0xb8;
	[tilespmem:$0x1FF20] =	vst v63  }
0x84: {  	_ =	swait.ge [sflag:s1], $0x2800  }
0x85: {  	[sflag:s1] =	ssyncset.done $0x0  }
0x86: {  	s8 =	simm.s32 $0x15FC0;
	[sflag:s1] =	ssyncadd.s32 $0xFFFFD800  }
0x87: {  	[tilespmem:s25], [sflag:$0x2] =	stream.indirect.gather [hbm4b:s5+s23], $0x80, s8, s23, $0xb8;
	[tilespmem:$0x1FF20] =	vst v63  }
0x88: {  	_ =	swait.ge [sflag:s2], $0x2800  }
0x89: {  	[sflag:s2] =	ssyncset.done $0x0  }
0x8a: {  	s26 =	simm.s32 $0x18630;
	[sflag:s2] =	ssyncadd.s32 $0xFFFFD800  }
0x8b: {  	[spmem:s3] =	stream.indirect.scatter.add.f32 [tilespmem:s28], [sflag:$0x6], $0x80, s26, s23, $0xb8;
	[tilespmem:$0x1FF20] =	vst v63  }
0x8c: {  	_ =	swait.ge [sflag:s29], $0x2800  }
0x8d: {  	[sflag:s29] =	ssyncset.done $0x0  }
0x8e: {  	s8 =	simm.s32 $0x18680;
	[sflag:s29] =	ssyncadd.s32 $0xFFFFD800  }
0x8f: {  	[spmem:s3] =	stream.indirect.scatter.add.f32 [tilespmem:s19], [sflag:$0x4], $0x80, s8, s23, $0xb8;
	[tilespmem:$0x1FF20] =	vst v63  }
0x90: {  	_ =	swait.ge [sflag:s31], $0x2800  }
0x91: {  	[sflag:s31] =	ssyncset.done $0x0  }
0x92: {  	s26 =	simm.s32 $0x186D0;
	[sflag:s31] =	ssyncadd.s32 $0xFFFFD800  }
0x93: {  	[spmem:s3] =	stream.indirect.scatter.add.f32 [tilespmem:s25], [sflag:$0x5], $0x80, s26, s23, $0xb8;
	[tilespmem:$0x1FF20] =	vst v63  }
0x94: {  	_ =	swait.ge [sflag:s30], $0x2800  }
0x95: {  	[sflag:s30] =	ssyncset.done $0x0  }
0x96: {  	[sflag:s30] =	ssyncadd.s32 $0xFFFFD800  }
0x97: {  	_ =	swait.ge [sflag:s1], $0x2800  }
0x98: {  	[sflag:s1] =	ssyncset.done $0x0  }
0x99: {  	[sflag:s1] =	ssyncadd.s32 $0xFFFFD800  }
0x9a: {  	_ =	swait.ge [sflag:s0], $0x2800  }
0x9b: {  	[sflag:s0] =	ssyncset.done $0x0  }
0x9c: {  	[sflag:s0] =	ssyncadd.s32 $0xFFFFD800  }
0x9d: {  	s7 =	sshrl.u32 @p0 s6, $0x3;
	s8 =	simm.s32 @p0 $0x1FC7;
	[bflag:$0x0] =	sbarrier.arrive $0xFFFF  }
0x9e: {  	[hbm:s17], [sflag:s8] =	dma.local @p0 [spmem:s7], $0x2620  }
0x9f: {  	s7 =	simm.s32 @p0 $0x7  }
0xa0: {  	s24 =	sadd.s32 $0x1, s24;
	s8 =	stileid.u32;
	_ =	swait.ge @p0 [sflag:s7], $0x2620  }
0xa1: {  	p1 =	sne.s32 s24, s18;
	s8 =	sshll.u32 @!p0 s8, $0x6;
	[sflag:s7] =	ssyncset.done @p0 $0x0  }
0xa2: {  	[sflag:s7] =	ssyncadd.s32 @p0 $0xFFFFD9E0;
	s7 =	sor.u32 @!p0 $0x1C07, s8;
	s8 =	sshrl.u32 @!p0 s6, $0x3  }
0xa3: {  	[hbm:s16], [sflag:s7] =	dma.local @!p0 [spmem:s8], $0x2720  }
.Ltmp1:
0xa4: {  	_ = 	snop;
	(pc) =	sbr.rel @p1 .LBB2_1-.Ltmp1, $4  }
0xa5: {  	s7 =	simm.s32 @!p0 $0x7  }
0xa6: {  	_ =	swait.ge @!p0 [sflag:s7], $0x2720  }
0xa7: {  	[sflag:s7] =	ssyncset.done @!p0 $0x0  }
0xa8: {  	[sflag:s7] =	ssyncadd.s32 @!p0 $0xFFFFD8E0  }
0xa9: {  	_ =	sfence.sel $0x180000  }
0xaa: {  	[bflag:$0x0] =	sbarrier.arrive $0xFFFF  }
0xab: {  	_ =	strace $0x90000047  }
0xac: {  	s0 =	stileid.u32;
	[bflag:$0x2] =	sbarrier.arrive $0xFFFF  }
0xad: {  	p0 =	sne.s32 s0, $0x0;
	s0 =	rddreg [dreg:$0x3]  }
0xae: {  	s0 =	sadd.s32 @!p0 $0x100000, s0  }
0xaf: {  	[sflag:s0] =	ssyncadd.tile.s32 @!p0 $0x1;
	_ =	shalt  }
.Lfunc_end2:
_tile_overlayer_lowered:
.L_overlay_start_2:
0xb0: {  	(tag) =	ssettag $0x2  }
0xb1: {  	s0 =	rddreg [dreg:$0x0];
	s2 =	stileid.u32  }
0xb2: {  	s1 =	rddreg [dreg:$0x1];
	p0 =	sne.s32 s2, $0x0  }
0xb3: {  	s3 =	rddreg [dreg:$0x2];
	[bflag:$0x3] =	sbarrier.arrive $0xFFFF;
	s2 =	simm.s32 @!p0 $0x1C07  }
0xb4: {  	[timem:s3], [sflag:s2] =	dma.local @!p0 [hbm:s0], s1  }
0xb5: {  	s0 =	simm.s32 @!p0 $0x7  }
0xb6: {  	_ =	swait.ge @!p0 [sflag:s0], s1  }
0xb7: {  	s1 =	ssub.s32 @!p0 $0x0, s1;
	[sflag:s0] =	ssyncset.done @!p0 $0x0  }
0xb8: {  	[sflag:s0] =	ssyncadd.s32 @!p0 s1  }
0xb9: {  	[bflag:$0x3] =	sbarrier.arrive $0xFFFF  }
0xba: {  	_ =	shalt  }

</sc_bundles>
